<compile_context>
chip_gen: v7x
topology: tpu7x:2x2x1
jax: 0.10.2.dev20260603
libtpu: 0.0.44.dev20260713+nightly
codegen_flags: <defaults>
</compile_context>

<pallas_src>
import jax
import jax.numpy as jnp
from jax import lax
from jax.experimental import pallas as pl
from jax.experimental.pallas import tpu as pltpu
from jax.experimental.pallas import tpu_sc as plsc

N = 10000
E = 320000
D_IN = 128
D_OUT = 10
DP = 16
NC = 2
NS = 16
NW = NC * NS
CH = 80
MAIN = 125
RT = 624
RT_LAST = N - RT * (NS - 1)
EPS = 1e-8

_mesh = plsc.VectorSubcoreMesh(core_axis_name="c", subcore_axis_name="s")


def _sc_agg1_body(h_hbm, src_hbm, dst_hbm, z128_hbm, z16_hbm, ones_hbm,
                  out_agg, out_deg, acc, dega, dst_v, s0, s1, s2,
                  g0, g1, g2, ones_v, ig0, ig1, ig2, sg0, sg1, sg2,
                  ss0, ss1, ss2, degsem):
    cid = lax.axis_index("c")
    sid = lax.axis_index("s")
    wid = cid * NS + sid
    rbase = sid * RT
    sv = [s0, s1, s2]
    gv = [g0, g1, g2]
    igs = [ig0, ig1, ig2]
    sgs = [sg0, sg1, sg2]
    sss = [ss0, ss1, ss2]

    def zero(sz):
        def f():
            pltpu.sync_copy(z128_hbm.at[pl.ds(0, sz)],
                            acc.at[pl.ds(rbase, sz)])
            pltpu.sync_copy(z16_hbm.at[pl.ds(0, sz)],
                            dega.at[pl.ds(rbase, sz)])
        return f

    pl.when(sid < NS - 1)(zero(RT))
    pl.when(sid == NS - 1)(zero(RT_LAST))
    pltpu.sync_copy(ones_hbm, ones_v)
    pltpu.sync_copy(dst_hbm.at[wid], dst_v)
    for b in range(3):
        pltpu.sync_copy(src_hbm.at[wid, b], sv[b])
    plsc.subcore_barrier()

    def launch(b):
        pltpu.async_copy(h_hbm.at[sv[b]], gv[b], sgs[b])

    def draing(b):
        pltpu.make_async_copy(h_hbm.at[pl.ds(0, CH)], gv[b], sgs[b]).wait()

    def drains(b):
        pltpu.make_async_copy(h_hbm.at[pl.ds(0, CH)], gv[b], sss[b]).wait()

    launch(0)
    launch(1)

    def step(c, b):
        nb = (b + 2) % 3
        draing(b)

        def spre():
            pltpu.async_copy(src_hbm.at[wid, c + 3], sv[b], igs[b])

        pl.when(c + 3 < MAIN)(spre)
        pltpu.async_copy(gv[b], acc.at[dst_v.at[c]], sss[b], add=True)
        pltpu.async_copy(ones_v, dega.at[dst_v.at[c]], degsem, add=True)
        pl.when(c >= 1)(lambda: drains(nb))

        def lg_warm():
            pltpu.make_async_copy(src_hbm.at[0, 0], sv[nb], igs[nb]).wait()
            launch(nb)

        def lg_cold():
            launch(nb)

        pl.when((c + 2 < MAIN) & (c >= 1))(lg_warm)
        pl.when((c + 2 < MAIN) & (c < 1))(lg_cold)
        return

    def body(k, carry):
        for j in range(3):
            step(3 * k + j, j)
        return carry

    lax.fori_loop(0, MAIN // 3, body, 0)
    step(MAIN - 2, (MAIN - 2) % 3)
    step(MAIN - 1, (MAIN - 1) % 3)
    drains((MAIN - 1) % 3)

    def degdrain(i, carry):
        pltpu.make_async_copy(ones_hbm, ones_v, degsem).wait()
        return carry

    lax.fori_loop(0, MAIN, degdrain, 0)
    plsc.subcore_barrier()

    def wb(sz):
        def f():
            pltpu.sync_copy(acc.at[pl.ds(rbase, sz)],
                            out_agg.at[cid, pl.ds(rbase, sz)])
            pltpu.sync_copy(dega.at[pl.ds(rbase, sz)],
                            out_deg.at[cid, pl.ds(rbase, sz)])
        return f

    pl.when(sid < NS - 1)(wb(RT))
    pl.when(sid == NS - 1)(wb(RT_LAST))


_sc_agg1 = pl.kernel(
    _sc_agg1_body,
    out_type=(jax.ShapeDtypeStruct((NC, N, D_IN), jnp.float32),
              jax.ShapeDtypeStruct((NC, N, DP), jnp.bfloat16)),
    mesh=_mesh,
    name="sc_agg1",
    compiler_params=pltpu.CompilerParams(use_tc_tiling_on_sc=False),
    scratch_types=[
        pltpu.VMEM_SHARED((N, D_IN), jnp.float32),
        pltpu.VMEM_SHARED((N, DP), jnp.bfloat16),
        pltpu.VMEM((MAIN, CH), jnp.int32),
        pltpu.VMEM((CH,), jnp.int32),
        pltpu.VMEM((CH,), jnp.int32),
        pltpu.VMEM((CH,), jnp.int32),
        pltpu.VMEM((CH, D_IN), jnp.float32),
        pltpu.VMEM((CH, D_IN), jnp.float32),
        pltpu.VMEM((CH, D_IN), jnp.float32),
        pltpu.VMEM((CH, DP), jnp.bfloat16),
        pltpu.SemaphoreType.DMA,
        pltpu.SemaphoreType.DMA,
        pltpu.SemaphoreType.DMA,
        pltpu.SemaphoreType.DMA,
        pltpu.SemaphoreType.DMA,
        pltpu.SemaphoreType.DMA,
        pltpu.SemaphoreType.DMA,
        pltpu.SemaphoreType.DMA,
        pltpu.SemaphoreType.DMA,
        pltpu.SemaphoreType.DMA,
    ],
)


RING = 5
QUINTS = MAIN // RING
LOOK = 4


def _sc_agg2_body(p_hbm, src_hbm, dst_hbm, z16_hbm, out_agg, acc,
                  src_v, dst_v, b0, b1, b2, b3, b4,
                  sg0, sg1, sg2, sg3, sg4, ss0, ss1, ss2, ss3, ss4):
    cid = lax.axis_index("c")
    sid = lax.axis_index("s")
    wid = cid * NS + sid
    rbase = sid * RT
    bufs = [b0, b1, b2, b3, b4]
    gsems = [sg0, sg1, sg2, sg3, sg4]
    ssems = [ss0, ss1, ss2, ss3, ss4]

    def zero(sz):
        def f():
            pltpu.sync_copy(z16_hbm.at[pl.ds(0, sz)],
                            acc.at[pl.ds(rbase, sz)])
        return f

    pl.when(sid < NS - 1)(zero(RT))
    pl.when(sid == NS - 1)(zero(RT_LAST))
    pltpu.sync_copy(src_hbm.at[wid], src_v)
    pltpu.sync_copy(dst_hbm.at[wid], dst_v)
    plsc.subcore_barrier()

    def launch(i, b):
        pltpu.async_copy(p_hbm.at[src_v.at[i]], bufs[b], gsems[b])

    def draing(b):
        pltpu.make_async_copy(p_hbm.at[pl.ds(0, CH)], bufs[b],
                              gsems[b]).wait()

    def drains(b):
        pltpu.make_async_copy(p_hbm.at[pl.ds(0, CH)], bufs[b],
                              ssems[b]).wait()

    launch(0, 0)
    launch(1, 1)
    launch(2, 2)
    launch(3, 3)

    def body(k, carry):
        c0 = RING * k
        for j in range(RING):
            c = c0 + j
            draing(j)
            pltpu.async_copy(bufs[j], acc.at[dst_v.at[c]], ssems[j],
                             add=True)
            nb = (j + LOOK) % RING
            cn = c + LOOK
            pl.when(cn - RING >= 0)(lambda b=nb: drains(b))
            pl.when(cn < MAIN)(lambda i=cn, b=nb: launch(i, b))
        return carry

    lax.fori_loop(0, QUINTS, body, 0)
    drains(4)
    plsc.subcore_barrier()

    def wb(sz):
        def f():
            pltpu.sync_copy(acc.at[pl.ds(rbase, sz)],
                            out_agg.at[cid, pl.ds(rbase, sz)])
        return f

    pl.when(sid < NS - 1)(wb(RT))
    pl.when(sid == NS - 1)(wb(RT_LAST))


_sc_agg2 = pl.kernel(
    _sc_agg2_body,
    out_type=jax.ShapeDtypeStruct((NC, N, DP), jnp.float32),
    mesh=_mesh,
    name="sc_agg2",
    compiler_params=pltpu.CompilerParams(use_tc_tiling_on_sc=False),
    scratch_types=[
        pltpu.VMEM_SHARED((N, DP), jnp.float32),
        pltpu.VMEM((MAIN, CH), jnp.int32),
        pltpu.VMEM((MAIN, CH), jnp.int32),
        pltpu.VMEM((CH, DP), jnp.float32),
        pltpu.VMEM((CH, DP), jnp.float32),
        pltpu.VMEM((CH, DP), jnp.float32),
        pltpu.VMEM((CH, DP), jnp.float32),
        pltpu.VMEM((CH, DP), jnp.float32),
        pltpu.SemaphoreType.DMA,
        pltpu.SemaphoreType.DMA,
        pltpu.SemaphoreType.DMA,
        pltpu.SemaphoreType.DMA,
        pltpu.SemaphoreType.DMA,
        pltpu.SemaphoreType.DMA,
        pltpu.SemaphoreType.DMA,
        pltpu.SemaphoreType.DMA,
        pltpu.SemaphoreType.DMA,
        pltpu.SemaphoreType.DMA,
    ],
)


BLK = 2000


def _t1_body(x_ref, o_ref):
    x = x_ref[...]
    n = jnp.sqrt(jnp.sum(x * x, axis=1, keepdims=True))
    o_ref[...] = x / (n + EPS)


_t1 = pl.pallas_call(
    _t1_body,
    grid=(N // BLK,),
    in_specs=[pl.BlockSpec((BLK, D_IN), lambda i: (i, 0))],
    out_specs=pl.BlockSpec((BLK, D_IN), lambda i: (i, 0)),
    out_shape=jax.ShapeDtypeStruct((N, D_IN), jnp.float32),
)


def _t2_body(h_ref, a0_ref, a1_ref, d0_ref, d1_ref, ws1_ref, wn1_ref,
             b1_ref, ws2_ref, wn2_ref, s_ref, p_ref):
    h = h_ref[...]
    deg = (d0_ref[0].astype(jnp.float32)
           + d1_ref[0].astype(jnp.float32))[:, :1]
    agg = (a0_ref[0] + a1_ref[0]) / jnp.maximum(deg, 1.0)
    z = (jnp.dot(h, ws1_ref[...], preferred_element_type=jnp.float32)
         + jnp.dot(agg, wn1_ref[...], preferred_element_type=jnp.float32)
         + b1_ref[...])
    n = jnp.sqrt(jnp.sum(z * z, axis=1, keepdims=True))
    z = jnp.maximum(z / (n + EPS), 0.0)
    s_ref[...] = jnp.dot(z, ws2_ref[...], preferred_element_type=jnp.float32)
    p_ref[...] = jnp.dot(z, wn2_ref[...], preferred_element_type=jnp.float32)


_t2 = pl.pallas_call(
    _t2_body,
    grid=(N // BLK,),
    in_specs=[
        pl.BlockSpec((BLK, D_IN), lambda i: (i, 0)),
        pl.BlockSpec((1, BLK, D_IN), lambda i: (0, i, 0)),
        pl.BlockSpec((1, BLK, D_IN), lambda i: (1, i, 0)),
        pl.BlockSpec((1, BLK, DP), lambda i: (0, i, 0)),
        pl.BlockSpec((1, BLK, DP), lambda i: (1, i, 0)),
        pl.BlockSpec((D_IN, D_IN), lambda i: (0, 0)),
        pl.BlockSpec((D_IN, D_IN), lambda i: (0, 0)),
        pl.BlockSpec((1, D_IN), lambda i: (0, 0)),
        pl.BlockSpec((D_IN, DP), lambda i: (0, 0)),
        pl.BlockSpec((D_IN, DP), lambda i: (0, 0)),
    ],
    out_specs=[
        pl.BlockSpec((BLK, DP), lambda i: (i, 0)),
        pl.BlockSpec((BLK, DP), lambda i: (i, 0)),
    ],
    out_shape=[
        jax.ShapeDtypeStruct((N, DP), jnp.float32),
        jax.ShapeDtypeStruct((N, DP), jnp.float32),
    ],
)


def _t3_body(s_ref, q0_ref, q1_ref, d0_ref, d1_ref, b2_ref, o_ref):
    deg = (d0_ref[0].astype(jnp.float32)
           + d1_ref[0].astype(jnp.float32))[:, :1]
    agg = (q0_ref[0] + q1_ref[0]) / jnp.maximum(deg, 1.0)
    o = s_ref[...] + agg + b2_ref[...]
    n = jnp.sqrt(jnp.sum(o * o, axis=1, keepdims=True))
    o = o / (n + EPS)
    mask = lax.broadcasted_iota(jnp.int32, o.shape, 1) < D_OUT
    o = jnp.where(mask, o, -jnp.inf)
    m = jnp.max(o, axis=1, keepdims=True)
    e = jnp.where(mask, jnp.exp(o - m), 0.0)
    lse = jnp.log(jnp.sum(e, axis=1, keepdims=True))
    o_ref[...] = (o - m - lse)[:, :D_OUT]


_t3 = pl.pallas_call(
    _t3_body,
    grid=(N // BLK,),
    in_specs=[
        pl.BlockSpec((BLK, DP), lambda i: (i, 0)),
        pl.BlockSpec((1, BLK, DP), lambda i: (0, i, 0)),
        pl.BlockSpec((1, BLK, DP), lambda i: (1, i, 0)),
        pl.BlockSpec((1, BLK, DP), lambda i: (0, i, 0)),
        pl.BlockSpec((1, BLK, DP), lambda i: (1, i, 0)),
        pl.BlockSpec((1, DP), lambda i: (0, 0)),
    ],
    out_specs=pl.BlockSpec((BLK, D_OUT), lambda i: (i, 0)),
    out_shape=jax.ShapeDtypeStruct((N, D_OUT), jnp.float32),
)


@jax.jit
def kernel(x, edge_index, W_self1, W_neigh1, b1, W_self2, W_neigh2, b2):
    src3 = edge_index[0].reshape(NW, MAIN, CH)
    dst3 = edge_index[1].reshape(NW, MAIN, CH)
    z128 = jnp.zeros((RT_LAST, D_IN), jnp.float32)
    z16 = jnp.zeros((RT_LAST, DP), jnp.float32)
    z16b = jnp.zeros((RT_LAST, DP), jnp.bfloat16)
    ones16 = jnp.ones((CH, DP), jnp.bfloat16)
    ws2p = jnp.pad(W_self2, ((0, 0), (0, DP - D_OUT)))
    wn2p = jnp.pad(W_neigh2, ((0, 0), (0, DP - D_OUT)))
    b1r = b1.reshape(1, D_IN)
    b2p = jnp.pad(b2, (0, DP - D_OUT)).reshape(1, DP)

    h = _t1(x)
    agg_parts, deg_parts = _sc_agg1(h, src3, dst3, z128, z16b, ones16)
    s, p = _t2(h, agg_parts, agg_parts, deg_parts, deg_parts,
               W_self1, W_neigh1, b1r, ws2p, wn2p)
    parts2 = _sc_agg2(p, src3, dst3, z16)
    return _t3(s, parts2, parts2, deg_parts, deg_parts, b2p)

# --- scband reference (transcript-rebuilt; emitter-appended) ---
"""Pipeline reference for scband-uhgintrustion-detection-12524124635376 (READ-ONLY COPY).

The authoritative reference and input builder live on the scoring server;
editing this copy changes nothing except your own understanding.
"""

import jax, jax.numpy as jnp
import numpy as np

N = 10000
E = 320000
D_IN = 128
D_HID = 128
D_OUT = 10


def _proj_normalize(h, eps=1e-8):
    # Projective (homogeneous) normalization: points are equivalence classes
    # under scaling, so normalize each row to the unit sphere representative.
    nrm = jnp.linalg.norm(h, axis=1, keepdims=True)
    return h / (nrm + eps)


def setup_inputs(seed: int = 0) -> dict:
    key = jax.random.key(seed)
    ks = jax.random.split(key, 8)
    x = jax.random.normal(ks[0], (N, D_IN), dtype=jnp.float32)
    edge_index = jax.random.randint(ks[1], (2, E), 0, N, dtype=jnp.int32)
    s_in = 1.0 / np.sqrt(D_IN)
    s_hid = 1.0 / np.sqrt(D_HID)
    W_self1 = jax.random.normal(ks[2], (D_IN, D_HID), dtype=jnp.float32) * s_in
    W_neigh1 = jax.random.normal(ks[3], (D_IN, D_HID), dtype=jnp.float32) * s_in
    b1 = jnp.zeros((D_HID,), dtype=jnp.float32)
    W_self2 = jax.random.normal(ks[4], (D_HID, D_OUT), dtype=jnp.float32) * s_hid
    W_neigh2 = jax.random.normal(ks[5], (D_HID, D_OUT), dtype=jnp.float32) * s_hid
    b2 = jnp.zeros((D_OUT,), dtype=jnp.float32)
    return {"x": x, "edge_index": edge_index, "W_self1": W_self1,
            "W_neigh1": W_neigh1, "b1": b1, "W_self2": W_self2,
            "W_neigh2": W_neigh2, "b2": b2}


def _sage_aggregate(h, src, dst):
    # mean aggregation of neighbor messages (gather -> scatter-add -> divide)
    msg = jnp.take(h, src, axis=0)
    agg = jax.ops.segment_sum(msg, dst, num_segments=N)
    deg = jax.ops.segment_sum(jnp.ones((src.shape[0], 1), dtype=h.dtype), dst,
                              num_segments=N)
    return agg / jnp.maximum(deg, 1.0)


def reference(x, edge_index, W_self1, W_neigh1, b1, W_self2, W_neigh2, b2):
    src = edge_index[0]
    dst = edge_index[1]
    # map input features onto the projective sphere (pure projective op)
    h = _proj_normalize(x)
    # ProjectiveSAGE layer 1
    agg = _sage_aggregate(h, src, dst)
    h = h @ W_self1 + agg @ W_neigh1 + b1
    h = _proj_normalize(h)
    h = jax.nn.relu(h)
    # (dropout p=0.2 is identity at inference)
    # ProjectiveSAGE layer 2 (output layer: no ReLU)
    agg = _sage_aggregate(h, src, dst)
    h = h @ W_self2 + agg @ W_neigh2 + b2
    h = _proj_normalize(h)
    return jax.nn.log_softmax(h, axis=1)

if __name__ == "__main__":
    import jax
    _d = setup_inputs()
    print(jax.jit(kernel)(*tuple(_d.values())))

</pallas_src>

<mosaic_0001>
#map = affine_map<(d0, d1) -> (0, 0)>
#map1 = affine_map<(d0, d1) -> (0, 0, 0)>
module attributes {stable_mosaic.version = 14 : i64} {
  func.func @sc_agg1(%arg0: i32, %arg1: i32, %arg2: memref<10000x128xf32, #tpu.memory_space<hbm>>, %arg3: memref<32x125x80xi32, #tpu.memory_space<hbm>>, %arg4: memref<32x125x80xi32, #tpu.memory_space<hbm>>, %arg5: memref<640x128xf32, #tpu.memory_space<hbm>>, %arg6: memref<640x16xbf16, #tpu.memory_space<hbm>>, %arg7: memref<80x16xbf16, #tpu.memory_space<hbm>>, %arg8: memref<2x10000x128xf32, #tpu.memory_space<hbm>>, %arg9: memref<2x10000x16xbf16, #tpu.memory_space<hbm>>, %arg10: memref<10000x128xf32, #tpu.memory_space<vmem_shared>>, %arg11: memref<10000x16xbf16, #tpu.memory_space<vmem_shared>>, %arg12: memref<125x80xi32, #tpu.memory_space<vmem>>, %arg13: memref<80xi32, #tpu.memory_space<vmem>>, %arg14: memref<80xi32, #tpu.memory_space<vmem>>, %arg15: memref<80xi32, #tpu.memory_space<vmem>>, %arg16: memref<80x128xf32, #tpu.memory_space<vmem>>, %arg17: memref<80x128xf32, #tpu.memory_space<vmem>>, %arg18: memref<80x128xf32, #tpu.memory_space<vmem>>, %arg19: memref<80x16xbf16, #tpu.memory_space<vmem>>, %arg20: memref<!tpu.dma_semaphore, #tpu.memory_space<semaphore_mem>>, %arg21: memref<!tpu.dma_semaphore, #tpu.memory_space<semaphore_mem>>, %arg22: memref<!tpu.dma_semaphore, #tpu.memory_space<semaphore_mem>>, %arg23: memref<!tpu.dma_semaphore, #tpu.memory_space<semaphore_mem>>, %arg24: memref<!tpu.dma_semaphore, #tpu.memory_space<semaphore_mem>>, %arg25: memref<!tpu.dma_semaphore, #tpu.memory_space<semaphore_mem>>, %arg26: memref<!tpu.dma_semaphore, #tpu.memory_space<semaphore_mem>>, %arg27: memref<!tpu.dma_semaphore, #tpu.memory_space<semaphore_mem>>, %arg28: memref<!tpu.dma_semaphore, #tpu.memory_space<semaphore_mem>>, %arg29: memref<!tpu.dma_semaphore, #tpu.memory_space<semaphore_mem>>) attributes {dimension_semantics = [#tpu.dimension_semantics<core_parallel>, #tpu.dimension_semantics<subcore_parallel>], iteration_bounds = array<i64: 2, 16>, scalar_prefetch = 0 : i64, scratch_operands = 20 : i64, tpu.core_type = #tpu.core_type<sc_vector_subcore>, window_params = [{transform_indices = #map}, {transform_indices = #map1}, {transform_indices = #map1}, {transform_indices = #map}, {transform_indices = #map}, {transform_indices = #map}, {transform_indices = #map1}, {transform_indices = #map1}]} {
    %mul3A = arith.constant 16 : i32
    %mul3A_0 = arith.muli %arg0, %mul3A : i32
    %add3A = arith.addi %mul3A_0, %arg1 : i32
    %mul3A_1 = arith.constant 624 : i32
    %mul3A_2 = arith.muli %arg1, %mul3A_1 : i32
    %lt3A = arith.constant 15 : i32
    %lt3A_3 = arith.cmpi slt, %arg1, %lt3A : i32
    %convert_element_type3A = arith.extui %lt3A_3 : i1 to i32
    %cond3A = arith.constant 0 : i32
    %cond3A_4 = arith.cmpi ne, %convert_element_type3A, %cond3A : i32
    scf.if %cond3A_4 {
      "tpu.region"() ({
        %run_scoped3A_95 = tpu.sem_alloc : memref<!tpu.dma_semaphore, #tpu.memory_space<semaphore_mem>>
        %dma_start3A_96 = arith.constant 0 : i32
        %dma_start3A_97 = tpu.memref_slice %arg10[%mul3A_2, %dma_start3A_96] : memref<10000x128xf32, #tpu.memory_space<vmem_shared>> -> memref<624x128xf32, #tpu.memory_space<vmem_shared>>
        %dma_start3A_98 = arith.constant 0 : i32
        %dma_start3A_99 = arith.constant 0 : i32
        %dma_start3A_100 = tpu.memref_slice %arg5[%dma_start3A_98, %dma_start3A_99] : memref<640x128xf32, #tpu.memory_space<hbm>> -> memref<624x128xf32, #tpu.memory_space<hbm>>
        tpu.enqueue_dma source(%dma_start3A_100 : memref<624x128xf32, #tpu.memory_space<hbm>>) target(%dma_start3A_97 : memref<624x128xf32, #tpu.memory_space<vmem_shared>>) target_semaphore(%run_scoped3A_95 : memref<!tpu.dma_semaphore, #tpu.memory_space<semaphore_mem>>)
        %dma_wait3A_101 = arith.constant 0 : i32
        %dma_wait3A_102 = tpu.memref_slice %arg10[%mul3A_2, %dma_wait3A_101] : memref<10000x128xf32, #tpu.memory_space<vmem_shared>> -> memref<624x128xf32, #tpu.memory_space<vmem_shared>>
        %dma_wait3A_103 = arith.constant 0 : i32
        %dma_wait3A_104 = arith.constant 0 : i32
        %dma_wait3A_105 = tpu.memref_slice %arg5[%dma_wait3A_103, %dma_wait3A_104] : memref<640x128xf32, #tpu.memory_space<hbm>> -> memref<624x128xf32, #tpu.memory_space<hbm>>
        tpu.wait_dma2 semaphore(%run_scoped3A_95 : memref<!tpu.dma_semaphore, #tpu.memory_space<semaphore_mem>>) src(%dma_wait3A_105 : memref<624x128xf32, #tpu.memory_space<hbm>>) dst(%dma_wait3A_102 : memref<624x128xf32, #tpu.memory_space<vmem_shared>>)
        tpu.yield
      }) : () -> ()
      "tpu.region"() ({
        %run_scoped3A_95 = tpu.sem_alloc : memref<!tpu.dma_semaphore, #tpu.memory_space<semaphore_mem>>
        %dma_start3A_96 = arith.constant 0 : i32
        %dma_start3A_97 = tpu.memref_slice %arg11[%mul3A_2, %dma_start3A_96] : memref<10000x16xbf16, #tpu.memory_space<vmem_shared>> -> memref<624x16xbf16, #tpu.memory_space<vmem_shared>>
        %dma_start3A_98 = arith.constant 0 : i32
        %dma_start3A_99 = arith.constant 0 : i32
        %dma_start3A_100 = tpu.memref_slice %arg6[%dma_start3A_98, %dma_start3A_99] : memref<640x16xbf16, #tpu.memory_space<hbm>> -> memref<624x16xbf16, #tpu.memory_space<hbm>>
        tpu.enqueue_dma source(%dma_start3A_100 : memref<624x16xbf16, #tpu.memory_space<hbm>>) target(%dma_start3A_97 : memref<624x16xbf16, #tpu.memory_space<vmem_shared>>) target_semaphore(%run_scoped3A_95 : memref<!tpu.dma_semaphore, #tpu.memory_space<semaphore_mem>>)
        %dma_wait3A_101 = arith.constant 0 : i32
        %dma_wait3A_102 = tpu.memref_slice %arg11[%mul3A_2, %dma_wait3A_101] : memref<10000x16xbf16, #tpu.memory_space<vmem_shared>> -> memref<624x16xbf16, #tpu.memory_space<vmem_shared>>
        %dma_wait3A_103 = arith.constant 0 : i32
        %dma_wait3A_104 = arith.constant 0 : i32
        %dma_wait3A_105 = tpu.memref_slice %arg6[%dma_wait3A_103, %dma_wait3A_104] : memref<640x16xbf16, #tpu.memory_space<hbm>> -> memref<624x16xbf16, #tpu.memory_space<hbm>>
        tpu.wait_dma2 semaphore(%run_scoped3A_95 : memref<!tpu.dma_semaphore, #tpu.memory_space<semaphore_mem>>) src(%dma_wait3A_105 : memref<624x16xbf16, #tpu.memory_space<hbm>>) dst(%dma_wait3A_102 : memref<624x16xbf16, #tpu.memory_space<vmem_shared>>)
        tpu.yield
      }) : () -> ()
    } else {
    }
    %eq3A = arith.constant 15 : i32
    %eq3A_5 = arith.cmpi eq, %arg1, %eq3A : i32
    %convert_element_type3A_6 = arith.extui %eq3A_5 : i1 to i32
    %cond3A_7 = arith.constant 0 : i32
    %cond3A_8 = arith.cmpi ne, %convert_element_type3A_6, %cond3A_7 : i32
    scf.if %cond3A_8 {
      "tpu.region"() ({
        %run_scoped3A_95 = tpu.sem_alloc : memref<!tpu.dma_semaphore, #tpu.memory_space<semaphore_mem>>
        %dma_start3A_96 = arith.constant 0 : i32
        %dma_start3A_97 = tpu.memref_slice %arg10[%mul3A_2, %dma_start3A_96] : memref<10000x128xf32, #tpu.memory_space<vmem_shared>> -> memref<640x128xf32, #tpu.memory_space<vmem_shared>>
        %dma_start3A_98 = arith.constant 0 : i32
        %dma_start3A_99 = arith.constant 0 : i32
        %dma_start3A_100 = tpu.memref_slice %arg5[%dma_start3A_98, %dma_start3A_99] : memref<640x128xf32, #tpu.memory_space<hbm>> -> memref<640x128xf32, #tpu.memory_space<hbm>>
        tpu.enqueue_dma source(%dma_start3A_100 : memref<640x128xf32, #tpu.memory_space<hbm>>) target(%dma_start3A_97 : memref<640x128xf32, #tpu.memory_space<vmem_shared>>) target_semaphore(%run_scoped3A_95 : memref<!tpu.dma_semaphore, #tpu.memory_space<semaphore_mem>>)
        %dma_wait3A_101 = arith.constant 0 : i32
        %dma_wait3A_102 = tpu.memref_slice %arg10[%mul3A_2, %dma_wait3A_101] : memref<10000x128xf32, #tpu.memory_space<vmem_shared>> -> memref<640x128xf32, #tpu.memory_space<vmem_shared>>
        %dma_wait3A_103 = arith.constant 0 : i32
        %dma_wait3A_104 = arith.constant 0 : i32
        %dma_wait3A_105 = tpu.memref_slice %arg5[%dma_wait3A_103, %dma_wait3A_104] : memref<640x128xf32, #tpu.memory_space<hbm>> -> memref<640x128xf32, #tpu.memory_space<hbm>>
        tpu.wait_dma2 semaphore(%run_scoped3A_95 : memref<!tpu.dma_semaphore, #tpu.memory_space<semaphore_mem>>) src(%dma_wait3A_105 : memref<640x128xf32, #tpu.memory_space<hbm>>) dst(%dma_wait3A_102 : memref<640x128xf32, #tpu.memory_space<vmem_shared>>)
        tpu.yield
      }) : () -> ()
      "tpu.region"() ({
        %run_scoped3A_95 = tpu.sem_alloc : memref<!tpu.dma_semaphore, #tpu.memory_space<semaphore_mem>>
        %dma_start3A_96 = arith.constant 0 : i32
        %dma_start3A_97 = tpu.memref_slice %arg11[%mul3A_2, %dma_start3A_96] : memref<10000x16xbf16, #tpu.memory_space<vmem_shared>> -> memref<640x16xbf16, #tpu.memory_space<vmem_shared>>
        %dma_start3A_98 = arith.constant 0 : i32
        %dma_start3A_99 = arith.constant 0 : i32
        %dma_start3A_100 = tpu.memref_slice %arg6[%dma_start3A_98, %dma_start3A_99] : memref<640x16xbf16, #tpu.memory_space<hbm>> -> memref<640x16xbf16, #tpu.memory_space<hbm>>
        tpu.enqueue_dma source(%dma_start3A_100 : memref<640x16xbf16, #tpu.memory_space<hbm>>) target(%dma_start3A_97 : memref<640x16xbf16, #tpu.memory_space<vmem_shared>>) target_semaphore(%run_scoped3A_95 : memref<!tpu.dma_semaphore, #tpu.memory_space<semaphore_mem>>)
        %dma_wait3A_101 = arith.constant 0 : i32
        %dma_wait3A_102 = tpu.memref_slice %arg11[%mul3A_2, %dma_wait3A_101] : memref<10000x16xbf16, #tpu.memory_space<vmem_shared>> -> memref<640x16xbf16, #tpu.memory_space<vmem_shared>>
        %dma_wait3A_103 = arith.constant 0 : i32
        %dma_wait3A_104 = arith.constant 0 : i32
        %dma_wait3A_105 = tpu.memref_slice %arg6[%dma_wait3A_103, %dma_wait3A_104] : memref<640x16xbf16, #tpu.memory_space<hbm>> -> memref<640x16xbf16, #tpu.memory_space<hbm>>
        tpu.wait_dma2 semaphore(%run_scoped3A_95 : memref<!tpu.dma_semaphore, #tpu.memory_space<semaphore_mem>>) src(%dma_wait3A_105 : memref<640x16xbf16, #tpu.memory_space<hbm>>) dst(%dma_wait3A_102 : memref<640x16xbf16, #tpu.memory_space<vmem_shared>>)
        tpu.yield
      }) : () -> ()
    } else {
    }
    "tpu.region"() ({
      %run_scoped3A_95 = tpu.sem_alloc : memref<!tpu.dma_semaphore, #tpu.memory_space<semaphore_mem>>
      tpu.enqueue_dma source(%arg7 : memref<80x16xbf16, #tpu.memory_space<hbm>>) target(%arg19 : memref<80x16xbf16, #tpu.memory_space<vmem>>) target_semaphore(%run_scoped3A_95 : memref<!tpu.dma_semaphore, #tpu.memory_space<semaphore_mem>>)
      tpu.wait_dma2 semaphore(%run_scoped3A_95 : memref<!tpu.dma_semaphore, #tpu.memory_space<semaphore_mem>>) src(%arg7 : memref<80x16xbf16, #tpu.memory_space<hbm>>) dst(%arg19 : memref<80x16xbf16, #tpu.memory_space<vmem>>)
      tpu.yield
    }) : () -> ()
    "tpu.region"() ({
      %run_scoped3A_95 = tpu.sem_alloc : memref<!tpu.dma_semaphore, #tpu.memory_space<semaphore_mem>>
      %dma_start3A_96 = arith.constant 0 : i32
      %dma_start3A_97 = arith.constant 0 : i32
      %dma_start3A_98 = tpu.memref_slice %arg4[%add3A, %dma_start3A_96, %dma_start3A_97] : memref<32x125x80xi32, #tpu.memory_space<hbm>> -> memref<1x125x80xi32, #tpu.memory_space<hbm>>
      %dma_start3A_99 = tpu.memref_squeeze %dma_start3A_98 : memref<1x125x80xi32, #tpu.memory_space<hbm>> -> memref<125x80xi32, #tpu.memory_space<hbm>>
      %dma_start3A_100 = arith.constant 0 : i32
      %dma_start3A_101 = arith.constant 0 : i32
      %dma_start3A_102 = tpu.memref_slice %arg4[%add3A, %dma_start3A_100, %dma_start3A_101] : memref<32x125x80xi32, #tpu.memory_space<hbm>> -> memref<1x125x80xi32, #tpu.memory_space<hbm>>
      %dma_start3A_103 = tpu.memref_squeeze %dma_start3A_102 : memref<1x125x80xi32, #tpu.memory_space<hbm>> -> memref<125x80xi32, #tpu.memory_space<hbm>>
      tpu.enqueue_dma source(%dma_start3A_103 : memref<125x80xi32, #tpu.memory_space<hbm>>) target(%arg12 : memref<125x80xi32, #tpu.memory_space<vmem>>) target_semaphore(%run_scoped3A_95 : memref<!tpu.dma_semaphore, #tpu.memory_space<semaphore_mem>>)
      %dma_wait3A_104 = arith.constant 0 : i32
      %dma_wait3A_105 = arith.constant 0 : i32
      %dma_wait3A_106 = tpu.memref_slice %arg4[%add3A, %dma_wait3A_104, %dma_wait3A_105] : memref<32x125x80xi32, #tpu.memory_space<hbm>> -> memref<1x125x80xi32, #tpu.memory_space<hbm>>
      %dma_wait3A_107 = tpu.memref_squeeze %dma_wait3A_106 : memref<1x125x80xi32, #tpu.memory_space<hbm>> -> memref<125x80xi32, #tpu.memory_space<hbm>>
      %dma_wait3A_108 = arith.constant 0 : i32
      %dma_wait3A_109 = arith.constant 0 : i32
      %dma_wait3A_110 = tpu.memref_slice %arg4[%add3A, %dma_wait3A_108, %dma_wait3A_109] : memref<32x125x80xi32, #tpu.memory_space<hbm>> -> memref<1x125x80xi32, #tpu.memory_space<hbm>>
      %dma_wait3A_111 = tpu.memref_squeeze %dma_wait3A_110 : memref<1x125x80xi32, #tpu.memory_space<hbm>> -> memref<125x80xi32, #tpu.memory_space<hbm>>
      tpu.wait_dma2 semaphore(%run_scoped3A_95 : memref<!tpu.dma_semaphore, #tpu.memory_space<semaphore_mem>>) src(%dma_wait3A_111 : memref<125x80xi32, #tpu.memory_space<hbm>>) dst(%arg12 : memref<125x80xi32, #tpu.memory_space<vmem>>)
      tpu.yield
    }) : () -> ()
    %run_scoped3A = arith.constant 0 : i32
    "tpu.region"() ({
      %run_scoped3A_95 = tpu.sem_alloc : memref<!tpu.dma_semaphore, #tpu.memory_space<semaphore_mem>>
      %dma_start3A_96 = arith.constant 0 : i32
      %dma_start3A_97 = tpu.memref_slice %arg3[%add3A, %run_scoped3A, %dma_start3A_96] : memref<32x125x80xi32, #tpu.memory_space<hbm>> -> memref<1x1x80xi32, #tpu.memory_space<hbm>>
      %dma_start3A_98 = tpu.memref_squeeze %dma_start3A_97 : memref<1x1x80xi32, #tpu.memory_space<hbm>> -> memref<80xi32, #tpu.memory_space<hbm>>
      %dma_start3A_99 = arith.constant 0 : i32
      %dma_start3A_100 = tpu.memref_slice %arg3[%add3A, %run_scoped3A, %dma_start3A_99] : memref<32x125x80xi32, #tpu.memory_space<hbm>> -> memref<1x1x80xi32, #tpu.memory_space<hbm>>
      %dma_start3A_101 = tpu.memref_squeeze %dma_start3A_100 : memref<1x1x80xi32, #tpu.memory_space<hbm>> -> memref<80xi32, #tpu.memory_space<hbm>>
      tpu.enqueue_dma source(%dma_start3A_101 : memref<80xi32, #tpu.memory_space<hbm>>) target(%arg13 : memref<80xi32, #tpu.memory_space<vmem>>) target_semaphore(%run_scoped3A_95 : memref<!tpu.dma_semaphore, #tpu.memory_space<semaphore_mem>>)
      %dma_wait3A_102 = arith.constant 0 : i32
      %dma_wait3A_103 = tpu.memref_slice %arg3[%add3A, %run_scoped3A, %dma_wait3A_102] : memref<32x125x80xi32, #tpu.memory_space<hbm>> -> memref<1x1x80xi32, #tpu.memory_space<hbm>>
      %dma_wait3A_104 = tpu.memref_squeeze %dma_wait3A_103 : memref<1x1x80xi32, #tpu.memory_space<hbm>> -> memref<80xi32, #tpu.memory_space<hbm>>
      %dma_wait3A_105 = arith.constant 0 : i32
      %dma_wait3A_106 = tpu.memref_slice %arg3[%add3A, %run_scoped3A, %dma_wait3A_105] : memref<32x125x80xi32, #tpu.memory_space<hbm>> -> memref<1x1x80xi32, #tpu.memory_space<hbm>>
      %dma_wait3A_107 = tpu.memref_squeeze %dma_wait3A_106 : memref<1x1x80xi32, #tpu.memory_space<hbm>> -> memref<80xi32, #tpu.memory_space<hbm>>
      tpu.wait_dma2 semaphore(%run_scoped3A_95 : memref<!tpu.dma_semaphore, #tpu.memory_space<semaphore_mem>>) src(%dma_wait3A_107 : memref<80xi32, #tpu.memory_space<hbm>>) dst(%arg13 : memref<80xi32, #tpu.memory_space<vmem>>)
      tpu.yield
    }) : () -> ()
    %run_scoped3A_9 = arith.constant 1 : i32
    "tpu.region"() ({
      %run_scoped3A_95 = tpu.sem_alloc : memref<!tpu.dma_semaphore, #tpu.memory_space<semaphore_mem>>
      %dma_start3A_96 = arith.constant 0 : i32
      %dma_start3A_97 = tpu.memref_slice %arg3[%add3A, %run_scoped3A_9, %dma_start3A_96] : memref<32x125x80xi32, #tpu.memory_space<hbm>> -> memref<1x1x80xi32, #tpu.memory_space<hbm>>
      %dma_start3A_98 = tpu.memref_squeeze %dma_start3A_97 : memref<1x1x80xi32, #tpu.memory_space<hbm>> -> memref<80xi32, #tpu.memory_space<hbm>>
      %dma_start3A_99 = arith.constant 0 : i32
      %dma_start3A_100 = tpu.memref_slice %arg3[%add3A, %run_scoped3A_9, %dma_start3A_99] : memref<32x125x80xi32, #tpu.memory_space<hbm>> -> memref<1x1x80xi32, #tpu.memory_space<hbm>>
      %dma_start3A_101 = tpu.memref_squeeze %dma_start3A_100 : memref<1x1x80xi32, #tpu.memory_space<hbm>> -> memref<80xi32, #tpu.memory_space<hbm>>
      tpu.enqueue_dma source(%dma_start3A_101 : memref<80xi32, #tpu.memory_space<hbm>>) target(%arg14 : memref<80xi32, #tpu.memory_space<vmem>>) target_semaphore(%run_scoped3A_95 : memref<!tpu.dma_semaphore, #tpu.memory_space<semaphore_mem>>)
      %dma_wait3A_102 = arith.constant 0 : i32
      %dma_wait3A_103 = tpu.memref_slice %arg3[%add3A, %run_scoped3A_9, %dma_wait3A_102] : memref<32x125x80xi32, #tpu.memory_space<hbm>> -> memref<1x1x80xi32, #tpu.memory_space<hbm>>
      %dma_wait3A_104 = tpu.memref_squeeze %dma_wait3A_103 : memref<1x1x80xi32, #tpu.memory_space<hbm>> -> memref<80xi32, #tpu.memory_space<hbm>>
      %dma_wait3A_105 = arith.constant 0 : i32
      %dma_wait3A_106 = tpu.memref_slice %arg3[%add3A, %run_scoped3A_9, %dma_wait3A_105] : memref<32x125x80xi32, #tpu.memory_space<hbm>> -> memref<1x1x80xi32, #tpu.memory_space<hbm>>
      %dma_wait3A_107 = tpu.memref_squeeze %dma_wait3A_106 : memref<1x1x80xi32, #tpu.memory_space<hbm>> -> memref<80xi32, #tpu.memory_space<hbm>>
      tpu.wait_dma2 semaphore(%run_scoped3A_95 : memref<!tpu.dma_semaphore, #tpu.memory_space<semaphore_mem>>) src(%dma_wait3A_107 : memref<80xi32, #tpu.memory_space<hbm>>) dst(%arg14 : memref<80xi32, #tpu.memory_space<vmem>>)
      tpu.yield
    }) : () -> ()
    %run_scoped3A_10 = arith.constant 2 : i32
    "tpu.region"() ({
      %run_scoped3A_95 = tpu.sem_alloc : memref<!tpu.dma_semaphore, #tpu.memory_space<semaphore_mem>>
      %dma_start3A_96 = arith.constant 0 : i32
      %dma_start3A_97 = tpu.memref_slice %arg3[%add3A, %run_scoped3A_10, %dma_start3A_96] : memref<32x125x80xi32, #tpu.memory_space<hbm>> -> memref<1x1x80xi32, #tpu.memory_space<hbm>>
      %dma_start3A_98 = tpu.memref_squeeze %dma_start3A_97 : memref<1x1x80xi32, #tpu.memory_space<hbm>> -> memref<80xi32, #tpu.memory_space<hbm>>
      %dma_start3A_99 = arith.constant 0 : i32
      %dma_start3A_100 = tpu.memref_slice %arg3[%add3A, %run_scoped3A_10, %dma_start3A_99] : memref<32x125x80xi32, #tpu.memory_space<hbm>> -> memref<1x1x80xi32, #tpu.memory_space<hbm>>
      %dma_start3A_101 = tpu.memref_squeeze %dma_start3A_100 : memref<1x1x80xi32, #tpu.memory_space<hbm>> -> memref<80xi32, #tpu.memory_space<hbm>>
      tpu.enqueue_dma source(%dma_start3A_101 : memref<80xi32, #tpu.memory_space<hbm>>) target(%arg15 : memref<80xi32, #tpu.memory_space<vmem>>) target_semaphore(%run_scoped3A_95 : memref<!tpu.dma_semaphore, #tpu.memory_space<semaphore_mem>>)
      %dma_wait3A_102 = arith.constant 0 : i32
      %dma_wait3A_103 = tpu.memref_slice %arg3[%add3A, %run_scoped3A_10, %dma_wait3A_102] : memref<32x125x80xi32, #tpu.memory_space<hbm>> -> memref<1x1x80xi32, #tpu.memory_space<hbm>>
      %dma_wait3A_104 = tpu.memref_squeeze %dma_wait3A_103 : memref<1x1x80xi32, #tpu.memory_space<hbm>> -> memref<80xi32, #tpu.memory_space<hbm>>
      %dma_wait3A_105 = arith.constant 0 : i32
      %dma_wait3A_106 = tpu.memref_slice %arg3[%add3A, %run_scoped3A_10, %dma_wait3A_105] : memref<32x125x80xi32, #tpu.memory_space<hbm>> -> memref<1x1x80xi32, #tpu.memory_space<hbm>>
      %dma_wait3A_107 = tpu.memref_squeeze %dma_wait3A_106 : memref<1x1x80xi32, #tpu.memory_space<hbm>> -> memref<80xi32, #tpu.memory_space<hbm>>
      tpu.wait_dma2 semaphore(%run_scoped3A_95 : memref<!tpu.dma_semaphore, #tpu.memory_space<semaphore_mem>>) src(%dma_wait3A_107 : memref<80xi32, #tpu.memory_space<hbm>>) dst(%arg15 : memref<80xi32, #tpu.memory_space<vmem>>)
      tpu.yield
    }) : () -> ()
    %barrier3A = arith.constant 0 : index
    tpu.barrier barrier_id(%barrier3A)
    %dma_start3A = arith.constant 0 : i32
    %dma_start3A_11 = arith.constant 0 : i32
    %dma_start3A_12 = tpu.memref_slice %arg2[%dma_start3A, %dma_start3A_11] : memref<10000x128xf32, #tpu.memory_space<hbm>> -> memref<10000x128xf32, #tpu.memory_space<hbm>>
    tpu.enqueue_indirect_dma source(%dma_start3A_12 : memref<10000x128xf32, #tpu.memory_space<hbm>>) target(%arg16 : memref<80x128xf32, #tpu.memory_space<vmem>>) offsets(%arg13 : memref<80xi32, #tpu.memory_space<vmem>>) semaphore(%arg23 : memref<!tpu.dma_semaphore, #tpu.memory_space<semaphore_mem>>)
    %dma_start3A_13 = arith.constant 0 : i32
    %dma_start3A_14 = arith.constant 0 : i32
    %dma_start3A_15 = tpu.memref_slice %arg2[%dma_start3A_13, %dma_start3A_14] : memref<10000x128xf32, #tpu.memory_space<hbm>> -> memref<10000x128xf32, #tpu.memory_space<hbm>>
    tpu.enqueue_indirect_dma source(%dma_start3A_15 : memref<10000x128xf32, #tpu.memory_space<hbm>>) target(%arg17 : memref<80x128xf32, #tpu.memory_space<vmem>>) offsets(%arg14 : memref<80xi32, #tpu.memory_space<vmem>>) semaphore(%arg24 : memref<!tpu.dma_semaphore, #tpu.memory_space<semaphore_mem>>)
    %scan3A = arith.constant 0 : i32
    %scan3A_16 = arith.constant 0 : i32
    %scan3A_17 = arith.constant 41 : i32
    %scan3A_18 = arith.addi %scan3A_16, %scan3A_17 : i32
    %scan3A_19 = arith.constant 1 : i32
    scf.for %scan3A_95 = %scan3A_16 to %scan3A_18 step %scan3A_19  : i32 {
      %mul3A_96 = arith.constant 3 : i32
      %mul3A_97 = arith.muli %mul3A_96, %scan3A_95 : i32
      %add3A_98 = arith.constant 0 : i32
      %add3A_99 = arith.addi %mul3A_97, %add3A_98 : i32
      %dma_wait3A_100 = arith.constant 0 : i32
      %dma_wait3A_101 = arith.constant 0 : i32
      %dma_wait3A_102 = tpu.memref_slice %arg2[%dma_wait3A_100, %dma_wait3A_101] : memref<10000x128xf32, #tpu.memory_space<hbm>> -> memref<80x128xf32, #tpu.memory_space<hbm>>
      %dma_wait3A_103 = arith.constant 0 : i32
      %dma_wait3A_104 = arith.constant 0 : i32
      %dma_wait3A_105 = tpu.memref_slice %arg2[%dma_wait3A_103, %dma_wait3A_104] : memref<10000x128xf32, #tpu.memory_space<hbm>> -> memref<80x128xf32, #tpu.memory_space<hbm>>
      tpu.wait_dma2 semaphore(%arg23 : memref<!tpu.dma_semaphore, #tpu.memory_space<semaphore_mem>>) src(%dma_wait3A_105 : memref<80x128xf32, #tpu.memory_space<hbm>>) dst(%arg16 : memref<80x128xf32, #tpu.memory_space<vmem>>)
      %add3A_106 = arith.constant 3 : i32
      %add3A_107 = arith.addi %add3A_99, %add3A_106 : i32
      %lt3A_108 = arith.constant 125 : i32
      %lt3A_109 = arith.cmpi slt, %add3A_107, %lt3A_108 : i32
      %convert_element_type3A_110 = arith.extui %lt3A_109 : i1 to i32
      %cond3A_111 = arith.constant 0 : i32
      %cond3A_112 = arith.cmpi ne, %convert_element_type3A_110, %cond3A_111 : i32
      scf.if %cond3A_112 {
        %add3A_256 = arith.constant 3 : i32
        %add3A_257 = arith.addi %add3A_99, %add3A_256 : i32
        %dma_start3A_258 = arith.constant 0 : i32
        %dma_start3A_259 = tpu.memref_slice %arg3[%add3A, %add3A_257, %dma_start3A_258] : memref<32x125x80xi32, #tpu.memory_space<hbm>> -> memref<1x1x80xi32, #tpu.memory_space<hbm>>
        %dma_start3A_260 = tpu.memref_squeeze %dma_start3A_259 : memref<1x1x80xi32, #tpu.memory_space<hbm>> -> memref<80xi32, #tpu.memory_space<hbm>>
        %dma_start3A_261 = arith.constant 0 : i32
        %dma_start3A_262 = tpu.memref_slice %arg3[%add3A, %add3A_257, %dma_start3A_261] : memref<32x125x80xi32, #tpu.memory_space<hbm>> -> memref<1x1x80xi32, #tpu.memory_space<hbm>>
        %dma_start3A_263 = tpu.memref_squeeze %dma_start3A_262 : memref<1x1x80xi32, #tpu.memory_space<hbm>> -> memref<80xi32, #tpu.memory_space<hbm>>
        tpu.enqueue_dma source(%dma_start3A_263 : memref<80xi32, #tpu.memory_space<hbm>>) target(%arg13 : memref<80xi32, #tpu.memory_space<vmem>>) target_semaphore(%arg20 : memref<!tpu.dma_semaphore, #tpu.memory_space<semaphore_mem>>)
      } else {
      }
      %dma_start3A_113 = arith.constant 0 : i32
      %dma_start3A_114 = tpu.memref_slice %arg12[%add3A_99, %dma_start3A_113] : memref<125x80xi32, #tpu.memory_space<vmem>> -> memref<1x80xi32, #tpu.memory_space<vmem>>
      %dma_start3A_115 = tpu.memref_squeeze %dma_start3A_114 : memref<1x80xi32, #tpu.memory_space<vmem>> -> memref<80xi32, #tpu.memory_space<vmem>>
      %dma_start3A_116 = arith.constant 0 : i32
      %dma_start3A_117 = arith.constant 0 : i32
      %dma_start3A_118 = tpu.memref_slice %arg10[%dma_start3A_116, %dma_start3A_117] : memref<10000x128xf32, #tpu.memory_space<vmem_shared>> -> memref<10000x128xf32, #tpu.memory_space<vmem_shared>>
      tpu.enqueue_indirect_dma source(%arg16 : memref<80x128xf32, #tpu.memory_space<vmem>>) target(%dma_start3A_118 : memref<10000x128xf32, #tpu.memory_space<vmem_shared>>) offsets(%dma_start3A_115 : memref<80xi32, #tpu.memory_space<vmem>>) semaphore(%arg26 : memref<!tpu.dma_semaphore, #tpu.memory_space<semaphore_mem>>) {add = true}
      %dma_start3A_119 = arith.constant 0 : i32
      %dma_start3A_120 = tpu.memref_slice %arg12[%add3A_99, %dma_start3A_119] : memref<125x80xi32, #tpu.memory_space<vmem>> -> memref<1x80xi32, #tpu.memory_space<vmem>>
      %dma_start3A_121 = tpu.memref_squeeze %dma_start3A_120 : memref<1x80xi32, #tpu.memory_space<vmem>> -> memref<80xi32, #tpu.memory_space<vmem>>
      %dma_start3A_122 = arith.constant 0 : i32
      %dma_start3A_123 = arith.constant 0 : i32
      %dma_start3A_124 = tpu.memref_slice %arg11[%dma_start3A_122, %dma_start3A_123] : memref<10000x16xbf16, #tpu.memory_space<vmem_shared>> -> memref<10000x16xbf16, #tpu.memory_space<vmem_shared>>
      tpu.enqueue_indirect_dma source(%arg19 : memref<80x16xbf16, #tpu.memory_space<vmem>>) target(%dma_start3A_124 : memref<10000x16xbf16, #tpu.memory_space<vmem_shared>>) offsets(%dma_start3A_121 : memref<80xi32, #tpu.memory_space<vmem>>) semaphore(%arg29 : memref<!tpu.dma_semaphore, #tpu.memory_space<semaphore_mem>>) {add = true}
      %ge3A = arith.constant 1 : i32
      %ge3A_125 = arith.cmpi sge, %add3A_99, %ge3A : i32
      %convert_element_type3A_126 = arith.extui %ge3A_125 : i1 to i32
      %cond3A_127 = arith.constant 0 : i32
      %cond3A_128 = arith.cmpi ne, %convert_element_type3A_126, %cond3A_127 : i32
      scf.if %cond3A_128 {
        %dma_wait3A_256 = arith.constant 0 : i32
        %dma_wait3A_257 = arith.constant 0 : i32
        %dma_wait3A_258 = tpu.memref_slice %arg2[%dma_wait3A_256, %dma_wait3A_257] : memref<10000x128xf32, #tpu.memory_space<hbm>> -> memref<80x128xf32, #tpu.memory_space<hbm>>
        %dma_wait3A_259 = arith.constant 0 : i32
        %dma_wait3A_260 = arith.constant 0 : i32
        %dma_wait3A_261 = tpu.memref_slice %arg2[%dma_wait3A_259, %dma_wait3A_260] : memref<10000x128xf32, #tpu.memory_space<hbm>> -> memref<80x128xf32, #tpu.memory_space<hbm>>
        tpu.wait_dma2 semaphore(%arg28 : memref<!tpu.dma_semaphore, #tpu.memory_space<semaphore_mem>>) src(%dma_wait3A_261 : memref<80x128xf32, #tpu.memory_space<hbm>>) dst(%arg18 : memref<80x128xf32, #tpu.memory_space<vmem>>)
      } else {
      }
      %add3A_129 = arith.constant 2 : i32
      %add3A_130 = arith.addi %add3A_99, %add3A_129 : i32
      %lt3A_131 = arith.constant 125 : i32
      %lt3A_132 = arith.cmpi slt, %add3A_130, %lt3A_131 : i32
      %ge3A_133 = arith.constant 1 : i32
      %ge3A_134 = arith.cmpi sge, %add3A_99, %ge3A_133 : i32
      %and3A = arith.andi %lt3A_132, %ge3A_134 : i1
      %convert_element_type3A_135 = arith.extui %and3A : i1 to i32
      %cond3A_136 = arith.constant 0 : i32
      %cond3A_137 = arith.cmpi ne, %convert_element_type3A_135, %cond3A_136 : i32
      scf.if %cond3A_137 {
        %dma_wait3A_256 = arith.constant 0 : i32
        %dma_wait3A_257 = arith.constant 0 : i32
        %dma_wait3A_258 = arith.constant 0 : i32
        %dma_wait3A_259 = tpu.memref_slice %arg3[%dma_wait3A_256, %dma_wait3A_257, %dma_wait3A_258] : memref<32x125x80xi32, #tpu.memory_space<hbm>> -> memref<1x1x80xi32, #tpu.memory_space<hbm>>
        %dma_wait3A_260 = tpu.memref_squeeze %dma_wait3A_259 : memref<1x1x80xi32, #tpu.memory_space<hbm>> -> memref<80xi32, #tpu.memory_space<hbm>>
        %dma_wait3A_261 = arith.constant 0 : i32
        %dma_wait3A_262 = tpu.memref_slice %arg3[%dma_wait3A_256, %dma_wait3A_257, %dma_wait3A_261] : memref<32x125x80xi32, #tpu.memory_space<hbm>> -> memref<1x1x80xi32, #tpu.memory_space<hbm>>
        %dma_wait3A_263 = tpu.memref_squeeze %dma_wait3A_262 : memref<1x1x80xi32, #tpu.memory_space<hbm>> -> memref<80xi32, #tpu.memory_space<hbm>>
        tpu.wait_dma2 semaphore(%arg22 : memref<!tpu.dma_semaphore, #tpu.memory_space<semaphore_mem>>) src(%dma_wait3A_263 : memref<80xi32, #tpu.memory_space<hbm>>) dst(%arg15 : memref<80xi32, #tpu.memory_space<vmem>>)
        %dma_start3A_264 = arith.constant 0 : i32
        %dma_start3A_265 = arith.constant 0 : i32
        %dma_start3A_266 = tpu.memref_slice %arg2[%dma_start3A_264, %dma_start3A_265] : memref<10000x128xf32, #tpu.memory_space<hbm>> -> memref<10000x128xf32, #tpu.memory_space<hbm>>
        tpu.enqueue_indirect_dma source(%dma_start3A_266 : memref<10000x128xf32, #tpu.memory_space<hbm>>) target(%arg18 : memref<80x128xf32, #tpu.memory_space<vmem>>) offsets(%arg15 : memref<80xi32, #tpu.memory_space<vmem>>) semaphore(%arg25 : memref<!tpu.dma_semaphore, #tpu.memory_space<semaphore_mem>>)
      } else {
      }
      %add3A_138 = arith.constant 2 : i32
      %add3A_139 = arith.addi %add3A_99, %add3A_138 : i32
      %lt3A_140 = arith.constant 125 : i32
      %lt3A_141 = arith.cmpi slt, %add3A_139, %lt3A_140 : i32
      %lt3A_142 = arith.constant 1 : i32
      %lt3A_143 = arith.cmpi slt, %add3A_99, %lt3A_142 : i32
      %and3A_144 = arith.andi %lt3A_141, %lt3A_143 : i1
      %convert_element_type3A_145 = arith.extui %and3A_144 : i1 to i32
      %cond3A_146 = arith.constant 0 : i32
      %cond3A_147 = arith.cmpi ne, %convert_element_type3A_145, %cond3A_146 : i32
      scf.if %cond3A_147 {
        %dma_start3A_256 = arith.constant 0 : i32
        %dma_start3A_257 = arith.constant 0 : i32
        %dma_start3A_258 = tpu.memref_slice %arg2[%dma_start3A_256, %dma_start3A_257] : memref<10000x128xf32, #tpu.memory_space<hbm>> -> memref<10000x128xf32, #tpu.memory_space<hbm>>
        tpu.enqueue_indirect_dma source(%dma_start3A_258 : memref<10000x128xf32, #tpu.memory_space<hbm>>) target(%arg18 : memref<80x128xf32, #tpu.memory_space<vmem>>) offsets(%arg15 : memref<80xi32, #tpu.memory_space<vmem>>) semaphore(%arg25 : memref<!tpu.dma_semaphore, #tpu.memory_space<semaphore_mem>>)
      } else {
      }
      %mul3A_148 = arith.constant 3 : i32
      %mul3A_149 = arith.muli %mul3A_148, %scan3A_95 : i32
      %add3A_150 = arith.constant 1 : i32
      %add3A_151 = arith.addi %mul3A_149, %add3A_150 : i32
      %dma_wait3A_152 = arith.constant 0 : i32
      %dma_wait3A_153 = arith.constant 0 : i32
      %dma_wait3A_154 = tpu.memref_slice %arg2[%dma_wait3A_152, %dma_wait3A_153] : memref<10000x128xf32, #tpu.memory_space<hbm>> -> memref<80x128xf32, #tpu.memory_space<hbm>>
      %dma_wait3A_155 = arith.constant 0 : i32
      %dma_wait3A_156 = arith.constant 0 : i32
      %dma_wait3A_157 = tpu.memref_slice %arg2[%dma_wait3A_155, %dma_wait3A_156] : memref<10000x128xf32, #tpu.memory_space<hbm>> -> memref<80x128xf32, #tpu.memory_space<hbm>>
      tpu.wait_dma2 semaphore(%arg24 : memref<!tpu.dma_semaphore, #tpu.memory_space<semaphore_mem>>) src(%dma_wait3A_157 : memref<80x128xf32, #tpu.memory_space<hbm>>) dst(%arg17 : memref<80x128xf32, #tpu.memory_space<vmem>>)
      %add3A_158 = arith.constant 3 : i32
      %add3A_159 = arith.addi %add3A_151, %add3A_158 : i32
      %lt3A_160 = arith.constant 125 : i32
      %lt3A_161 = arith.cmpi slt, %add3A_159, %lt3A_160 : i32
      %convert_element_type3A_162 = arith.extui %lt3A_161 : i1 to i32
      %cond3A_163 = arith.constant 0 : i32
      %cond3A_164 = arith.cmpi ne, %convert_element_type3A_162, %cond3A_163 : i32
      scf.if %cond3A_164 {
        %add3A_256 = arith.constant 3 : i32
        %add3A_257 = arith.addi %add3A_151, %add3A_256 : i32
        %dma_start3A_258 = arith.constant 0 : i32
        %dma_start3A_259 = tpu.memref_slice %arg3[%add3A, %add3A_257, %dma_start3A_258] : memref<32x125x80xi32, #tpu.memory_space<hbm>> -> memref<1x1x80xi32, #tpu.memory_space<hbm>>
        %dma_start3A_260 = tpu.memref_squeeze %dma_start3A_259 : memref<1x1x80xi32, #tpu.memory_space<hbm>> -> memref<80xi32, #tpu.memory_space<hbm>>
        %dma_start3A_261 = arith.constant 0 : i32
        %dma_start3A_262 = tpu.memref_slice %arg3[%add3A, %add3A_257, %dma_start3A_261] : memref<32x125x80xi32, #tpu.memory_space<hbm>> -> memref<1x1x80xi32, #tpu.memory_space<hbm>>
        %dma_start3A_263 = tpu.memref_squeeze %dma_start3A_262 : memref<1x1x80xi32, #tpu.memory_space<hbm>> -> memref<80xi32, #tpu.memory_space<hbm>>
        tpu.enqueue_dma source(%dma_start3A_263 : memref<80xi32, #tpu.memory_space<hbm>>) target(%arg14 : memref<80xi32, #tpu.memory_space<vmem>>) target_semaphore(%arg21 : memref<!tpu.dma_semaphore, #tpu.memory_space<semaphore_mem>>)
      } else {
      }
      %dma_start3A_165 = arith.constant 0 : i32
      %dma_start3A_166 = tpu.memref_slice %arg12[%add3A_151, %dma_start3A_165] : memref<125x80xi32, #tpu.memory_space<vmem>> -> memref<1x80xi32, #tpu.memory_space<vmem>>
      %dma_start3A_167 = tpu.memref_squeeze %dma_start3A_166 : memref<1x80xi32, #tpu.memory_space<vmem>> -> memref<80xi32, #tpu.memory_space<vmem>>
      %dma_start3A_168 = arith.constant 0 : i32
      %dma_start3A_169 = arith.constant 0 : i32
      %dma_start3A_170 = tpu.memref_slice %arg10[%dma_start3A_168, %dma_start3A_169] : memref<10000x128xf32, #tpu.memory_space<vmem_shared>> -> memref<10000x128xf32, #tpu.memory_space<vmem_shared>>
      tpu.enqueue_indirect_dma source(%arg17 : memref<80x128xf32, #tpu.memory_space<vmem>>) target(%dma_start3A_170 : memref<10000x128xf32, #tpu.memory_space<vmem_shared>>) offsets(%dma_start3A_167 : memref<80xi32, #tpu.memory_space<vmem>>) semaphore(%arg27 : memref<!tpu.dma_semaphore, #tpu.memory_space<semaphore_mem>>) {add = true}
      %dma_start3A_171 = arith.constant 0 : i32
      %dma_start3A_172 = tpu.memref_slice %arg12[%add3A_151, %dma_start3A_171] : memref<125x80xi32, #tpu.memory_space<vmem>> -> memref<1x80xi32, #tpu.memory_space<vmem>>
      %dma_start3A_173 = tpu.memref_squeeze %dma_start3A_172 : memref<1x80xi32, #tpu.memory_space<vmem>> -> memref<80xi32, #tpu.memory_space<vmem>>
      %dma_start3A_174 = arith.constant 0 : i32
      %dma_start3A_175 = arith.constant 0 : i32
      %dma_start3A_176 = tpu.memref_slice %arg11[%dma_start3A_174, %dma_start3A_175] : memref<10000x16xbf16, #tpu.memory_space<vmem_shared>> -> memref<10000x16xbf16, #tpu.memory_space<vmem_shared>>
      tpu.enqueue_indirect_dma source(%arg19 : memref<80x16xbf16, #tpu.memory_space<vmem>>) target(%dma_start3A_176 : memref<10000x16xbf16, #tpu.memory_space<vmem_shared>>) offsets(%dma_start3A_173 : memref<80xi32, #tpu.memory_space<vmem>>) semaphore(%arg29 : memref<!tpu.dma_semaphore, #tpu.memory_space<semaphore_mem>>) {add = true}
      %ge3A_177 = arith.constant 1 : i32
      %ge3A_178 = arith.cmpi sge, %add3A_151, %ge3A_177 : i32
      %convert_element_type3A_179 = arith.extui %ge3A_178 : i1 to i32
      %cond3A_180 = arith.constant 0 : i32
      %cond3A_181 = arith.cmpi ne, %convert_element_type3A_179, %cond3A_180 : i32
      scf.if %cond3A_181 {
        %dma_wait3A_256 = arith.constant 0 : i32
        %dma_wait3A_257 = arith.constant 0 : i32
        %dma_wait3A_258 = tpu.memref_slice %arg2[%dma_wait3A_256, %dma_wait3A_257] : memref<10000x128xf32, #tpu.memory_space<hbm>> -> memref<80x128xf32, #tpu.memory_space<hbm>>
        %dma_wait3A_259 = arith.constant 0 : i32
        %dma_wait3A_260 = arith.constant 0 : i32
        %dma_wait3A_261 = tpu.memref_slice %arg2[%dma_wait3A_259, %dma_wait3A_260] : memref<10000x128xf32, #tpu.memory_space<hbm>> -> memref<80x128xf32, #tpu.memory_space<hbm>>
        tpu.wait_dma2 semaphore(%arg26 : memref<!tpu.dma_semaphore, #tpu.memory_space<semaphore_mem>>) src(%dma_wait3A_261 : memref<80x128xf32, #tpu.memory_space<hbm>>) dst(%arg16 : memref<80x128xf32, #tpu.memory_space<vmem>>)
      } else {
      }
      %add3A_182 = arith.constant 2 : i32
      %add3A_183 = arith.addi %add3A_151, %add3A_182 : i32
      %lt3A_184 = arith.constant 125 : i32
      %lt3A_185 = arith.cmpi slt, %add3A_183, %lt3A_184 : i32
      %ge3A_186 = arith.constant 1 : i32
      %ge3A_187 = arith.cmpi sge, %add3A_151, %ge3A_186 : i32
      %and3A_188 = arith.andi %lt3A_185, %ge3A_187 : i1
      %convert_element_type3A_189 = arith.extui %and3A_188 : i1 to i32
      %cond3A_190 = arith.constant 0 : i32
      %cond3A_191 = arith.cmpi ne, %convert_element_type3A_189, %cond3A_190 : i32
      scf.if %cond3A_191 {
        %dma_wait3A_256 = arith.constant 0 : i32
        %dma_wait3A_257 = arith.constant 0 : i32
        %dma_wait3A_258 = arith.constant 0 : i32
        %dma_wait3A_259 = tpu.memref_slice %arg3[%dma_wait3A_256, %dma_wait3A_257, %dma_wait3A_258] : memref<32x125x80xi32, #tpu.memory_space<hbm>> -> memref<1x1x80xi32, #tpu.memory_space<hbm>>
        %dma_wait3A_260 = tpu.memref_squeeze %dma_wait3A_259 : memref<1x1x80xi32, #tpu.memory_space<hbm>> -> memref<80xi32, #tpu.memory_space<hbm>>
        %dma_wait3A_261 = arith.constant 0 : i32
        %dma_wait3A_262 = tpu.memref_slice %arg3[%dma_wait3A_256, %dma_wait3A_257, %dma_wait3A_261] : memref<32x125x80xi32, #tpu.memory_space<hbm>> -> memref<1x1x80xi32, #tpu.memory_space<hbm>>
        %dma_wait3A_263 = tpu.memref_squeeze %dma_wait3A_262 : memref<1x1x80xi32, #tpu.memory_space<hbm>> -> memref<80xi32, #tpu.memory_space<hbm>>
        tpu.wait_dma2 semaphore(%arg20 : memref<!tpu.dma_semaphore, #tpu.memory_space<semaphore_mem>>) src(%dma_wait3A_263 : memref<80xi32, #tpu.memory_space<hbm>>) dst(%arg13 : memref<80xi32, #tpu.memory_space<vmem>>)
        %dma_start3A_264 = arith.constant 0 : i32
        %dma_start3A_265 = arith.constant 0 : i32
        %dma_start3A_266 = tpu.memref_slice %arg2[%dma_start3A_264, %dma_start3A_265] : memref<10000x128xf32, #tpu.memory_space<hbm>> -> memref<10000x128xf32, #tpu.memory_space<hbm>>
        tpu.enqueue_indirect_dma source(%dma_start3A_266 : memref<10000x128xf32, #tpu.memory_space<hbm>>) target(%arg16 : memref<80x128xf32, #tpu.memory_space<vmem>>) offsets(%arg13 : memref<80xi32, #tpu.memory_space<vmem>>) semaphore(%arg23 : memref<!tpu.dma_semaphore, #tpu.memory_space<semaphore_mem>>)
      } else {
      }
      %add3A_192 = arith.constant 2 : i32
      %add3A_193 = arith.addi %add3A_151, %add3A_192 : i32
      %lt3A_194 = arith.constant 125 : i32
      %lt3A_195 = arith.cmpi slt, %add3A_193, %lt3A_194 : i32
      %lt3A_196 = arith.constant 1 : i32
      %lt3A_197 = arith.cmpi slt, %add3A_151, %lt3A_196 : i32
      %and3A_198 = arith.andi %lt3A_195, %lt3A_197 : i1
      %convert_element_type3A_199 = arith.extui %and3A_198 : i1 to i32
      %cond3A_200 = arith.constant 0 : i32
      %cond3A_201 = arith.cmpi ne, %convert_element_type3A_199, %cond3A_200 : i32
      scf.if %cond3A_201 {
        %dma_start3A_256 = arith.constant 0 : i32
        %dma_start3A_257 = arith.constant 0 : i32
        %dma_start3A_258 = tpu.memref_slice %arg2[%dma_start3A_256, %dma_start3A_257] : memref<10000x128xf32, #tpu.memory_space<hbm>> -> memref<10000x128xf32, #tpu.memory_space<hbm>>
        tpu.enqueue_indirect_dma source(%dma_start3A_258 : memref<10000x128xf32, #tpu.memory_space<hbm>>) target(%arg16 : memref<80x128xf32, #tpu.memory_space<vmem>>) offsets(%arg13 : memref<80xi32, #tpu.memory_space<vmem>>) semaphore(%arg23 : memref<!tpu.dma_semaphore, #tpu.memory_space<semaphore_mem>>)
      } else {
      }
      %mul3A_202 = arith.constant 3 : i32
      %mul3A_203 = arith.muli %mul3A_202, %scan3A_95 : i32
      %add3A_204 = arith.constant 2 : i32
      %add3A_205 = arith.addi %mul3A_203, %add3A_204 : i32
      %dma_wait3A_206 = arith.constant 0 : i32
      %dma_wait3A_207 = arith.constant 0 : i32
      %dma_wait3A_208 = tpu.memref_slice %arg2[%dma_wait3A_206, %dma_wait3A_207] : memref<10000x128xf32, #tpu.memory_space<hbm>> -> memref<80x128xf32, #tpu.memory_space<hbm>>
      %dma_wait3A_209 = arith.constant 0 : i32
      %dma_wait3A_210 = arith.constant 0 : i32
      %dma_wait3A_211 = tpu.memref_slice %arg2[%dma_wait3A_209, %dma_wait3A_210] : memref<10000x128xf32, #tpu.memory_space<hbm>> -> memref<80x128xf32, #tpu.memory_space<hbm>>
      tpu.wait_dma2 semaphore(%arg25 : memref<!tpu.dma_semaphore, #tpu.memory_space<semaphore_mem>>) src(%dma_wait3A_211 : memref<80x128xf32, #tpu.memory_space<hbm>>) dst(%arg18 : memref<80x128xf32, #tpu.memory_space<vmem>>)
      %add3A_212 = arith.constant 3 : i32
      %add3A_213 = arith.addi %add3A_205, %add3A_212 : i32
      %lt3A_214 = arith.constant 125 : i32
      %lt3A_215 = arith.cmpi slt, %add3A_213, %lt3A_214 : i32
      %convert_element_type3A_216 = arith.extui %lt3A_215 : i1 to i32
      %cond3A_217 = arith.constant 0 : i32
      %cond3A_218 = arith.cmpi ne, %convert_element_type3A_216, %cond3A_217 : i32
      scf.if %cond3A_218 {
        %add3A_256 = arith.constant 3 : i32
        %add3A_257 = arith.addi %add3A_205, %add3A_256 : i32
        %dma_start3A_258 = arith.constant 0 : i32
        %dma_start3A_259 = tpu.memref_slice %arg3[%add3A, %add3A_257, %dma_start3A_258] : memref<32x125x80xi32, #tpu.memory_space<hbm>> -> memref<1x1x80xi32, #tpu.memory_space<hbm>>
        %dma_start3A_260 = tpu.memref_squeeze %dma_start3A_259 : memref<1x1x80xi32, #tpu.memory_space<hbm>> -> memref<80xi32, #tpu.memory_space<hbm>>
        %dma_start3A_261 = arith.constant 0 : i32
        %dma_start3A_262 = tpu.memref_slice %arg3[%add3A, %add3A_257, %dma_start3A_261] : memref<32x125x80xi32, #tpu.memory_space<hbm>> -> memref<1x1x80xi32, #tpu.memory_space<hbm>>
        %dma_start3A_263 = tpu.memref_squeeze %dma_start3A_262 : memref<1x1x80xi32, #tpu.memory_space<hbm>> -> memref<80xi32, #tpu.memory_space<hbm>>
        tpu.enqueue_dma source(%dma_start3A_263 : memref<80xi32, #tpu.memory_space<hbm>>) target(%arg15 : memref<80xi32, #tpu.memory_space<vmem>>) target_semaphore(%arg22 : memref<!tpu.dma_semaphore, #tpu.memory_space<semaphore_mem>>)
      } else {
      }
      %dma_start3A_219 = arith.constant 0 : i32
      %dma_start3A_220 = tpu.memref_slice %arg12[%add3A_205, %dma_start3A_219] : memref<125x80xi32, #tpu.memory_space<vmem>> -> memref<1x80xi32, #tpu.memory_space<vmem>>
      %dma_start3A_221 = tpu.memref_squeeze %dma_start3A_220 : memref<1x80xi32, #tpu.memory_space<vmem>> -> memref<80xi32, #tpu.memory_space<vmem>>
      %dma_start3A_222 = arith.constant 0 : i32
      %dma_start3A_223 = arith.constant 0 : i32
      %dma_start3A_224 = tpu.memref_slice %arg10[%dma_start3A_222, %dma_start3A_223] : memref<10000x128xf32, #tpu.memory_space<vmem_shared>> -> memref<10000x128xf32, #tpu.memory_space<vmem_shared>>
      tpu.enqueue_indirect_dma source(%arg18 : memref<80x128xf32, #tpu.memory_space<vmem>>) target(%dma_start3A_224 : memref<10000x128xf32, #tpu.memory_space<vmem_shared>>) offsets(%dma_start3A_221 : memref<80xi32, #tpu.memory_space<vmem>>) semaphore(%arg28 : memref<!tpu.dma_semaphore, #tpu.memory_space<semaphore_mem>>) {add = true}
      %dma_start3A_225 = arith.constant 0 : i32
      %dma_start3A_226 = tpu.memref_slice %arg12[%add3A_205, %dma_start3A_225] : memref<125x80xi32, #tpu.memory_space<vmem>> -> memref<1x80xi32, #tpu.memory_space<vmem>>
      %dma_start3A_227 = tpu.memref_squeeze %dma_start3A_226 : memref<1x80xi32, #tpu.memory_space<vmem>> -> memref<80xi32, #tpu.memory_space<vmem>>
      %dma_start3A_228 = arith.constant 0 : i32
      %dma_start3A_229 = arith.constant 0 : i32
      %dma_start3A_230 = tpu.memref_slice %arg11[%dma_start3A_228, %dma_start3A_229] : memref<10000x16xbf16, #tpu.memory_space<vmem_shared>> -> memref<10000x16xbf16, #tpu.memory_space<vmem_shared>>
      tpu.enqueue_indirect_dma source(%arg19 : memref<80x16xbf16, #tpu.memory_space<vmem>>) target(%dma_start3A_230 : memref<10000x16xbf16, #tpu.memory_space<vmem_shared>>) offsets(%dma_start3A_227 : memref<80xi32, #tpu.memory_space<vmem>>) semaphore(%arg29 : memref<!tpu.dma_semaphore, #tpu.memory_space<semaphore_mem>>) {add = true}
      %ge3A_231 = arith.constant 1 : i32
      %ge3A_232 = arith.cmpi sge, %add3A_205, %ge3A_231 : i32
      %convert_element_type3A_233 = arith.extui %ge3A_232 : i1 to i32
      %cond3A_234 = arith.constant 0 : i32
      %cond3A_235 = arith.cmpi ne, %convert_element_type3A_233, %cond3A_234 : i32
      scf.if %cond3A_235 {
        %dma_wait3A_256 = arith.constant 0 : i32
        %dma_wait3A_257 = arith.constant 0 : i32
        %dma_wait3A_258 = tpu.memref_slice %arg2[%dma_wait3A_256, %dma_wait3A_257] : memref<10000x128xf32, #tpu.memory_space<hbm>> -> memref<80x128xf32, #tpu.memory_space<hbm>>
        %dma_wait3A_259 = arith.constant 0 : i32
        %dma_wait3A_260 = arith.constant 0 : i32
        %dma_wait3A_261 = tpu.memref_slice %arg2[%dma_wait3A_259, %dma_wait3A_260] : memref<10000x128xf32, #tpu.memory_space<hbm>> -> memref<80x128xf32, #tpu.memory_space<hbm>>
        tpu.wait_dma2 semaphore(%arg27 : memref<!tpu.dma_semaphore, #tpu.memory_space<semaphore_mem>>) src(%dma_wait3A_261 : memref<80x128xf32, #tpu.memory_space<hbm>>) dst(%arg17 : memref<80x128xf32, #tpu.memory_space<vmem>>)
      } else {
      }
      %add3A_236 = arith.constant 2 : i32
      %add3A_237 = arith.addi %add3A_205, %add3A_236 : i32
      %lt3A_238 = arith.constant 125 : i32
      %lt3A_239 = arith.cmpi slt, %add3A_237, %lt3A_238 : i32
      %ge3A_240 = arith.constant 1 : i32
      %ge3A_241 = arith.cmpi sge, %add3A_205, %ge3A_240 : i32
      %and3A_242 = arith.andi %lt3A_239, %ge3A_241 : i1
      %convert_element_type3A_243 = arith.extui %and3A_242 : i1 to i32
      %cond3A_244 = arith.constant 0 : i32
      %cond3A_245 = arith.cmpi ne, %convert_element_type3A_243, %cond3A_244 : i32
      scf.if %cond3A_245 {
        %dma_wait3A_256 = arith.constant 0 : i32
        %dma_wait3A_257 = arith.constant 0 : i32
        %dma_wait3A_258 = arith.constant 0 : i32
        %dma_wait3A_259 = tpu.memref_slice %arg3[%dma_wait3A_256, %dma_wait3A_257, %dma_wait3A_258] : memref<32x125x80xi32, #tpu.memory_space<hbm>> -> memref<1x1x80xi32, #tpu.memory_space<hbm>>
        %dma_wait3A_260 = tpu.memref_squeeze %dma_wait3A_259 : memref<1x1x80xi32, #tpu.memory_space<hbm>> -> memref<80xi32, #tpu.memory_space<hbm>>
        %dma_wait3A_261 = arith.constant 0 : i32
        %dma_wait3A_262 = tpu.memref_slice %arg3[%dma_wait3A_256, %dma_wait3A_257, %dma_wait3A_261] : memref<32x125x80xi32, #tpu.memory_space<hbm>> -> memref<1x1x80xi32, #tpu.memory_space<hbm>>
        %dma_wait3A_263 = tpu.memref_squeeze %dma_wait3A_262 : memref<1x1x80xi32, #tpu.memory_space<hbm>> -> memref<80xi32, #tpu.memory_space<hbm>>
        tpu.wait_dma2 semaphore(%arg21 : memref<!tpu.dma_semaphore, #tpu.memory_space<semaphore_mem>>) src(%dma_wait3A_263 : memref<80xi32, #tpu.memory_space<hbm>>) dst(%arg14 : memref<80xi32, #tpu.memory_space<vmem>>)
        %dma_start3A_264 = arith.constant 0 : i32
        %dma_start3A_265 = arith.constant 0 : i32
        %dma_start3A_266 = tpu.memref_slice %arg2[%dma_start3A_264, %dma_start3A_265] : memref<10000x128xf32, #tpu.memory_space<hbm>> -> memref<10000x128xf32, #tpu.memory_space<hbm>>
        tpu.enqueue_indirect_dma source(%dma_start3A_266 : memref<10000x128xf32, #tpu.memory_space<hbm>>) target(%arg17 : memref<80x128xf32, #tpu.memory_space<vmem>>) offsets(%arg14 : memref<80xi32, #tpu.memory_space<vmem>>) semaphore(%arg24 : memref<!tpu.dma_semaphore, #tpu.memory_space<semaphore_mem>>)
      } else {
      }
      %add3A_246 = arith.constant 2 : i32
      %add3A_247 = arith.addi %add3A_205, %add3A_246 : i32
      %lt3A_248 = arith.constant 125 : i32
      %lt3A_249 = arith.cmpi slt, %add3A_247, %lt3A_248 : i32
      %lt3A_250 = arith.constant 1 : i32
      %lt3A_251 = arith.cmpi slt, %add3A_205, %lt3A_250 : i32
      %and3A_252 = arith.andi %lt3A_249, %lt3A_251 : i1
      %convert_element_type3A_253 = arith.extui %and3A_252 : i1 to i32
      %cond3A_254 = arith.constant 0 : i32
      %cond3A_255 = arith.cmpi ne, %convert_element_type3A_253, %cond3A_254 : i32
      scf.if %cond3A_255 {
        %dma_start3A_256 = arith.constant 0 : i32
        %dma_start3A_257 = arith.constant 0 : i32
        %dma_start3A_258 = tpu.memref_slice %arg2[%dma_start3A_256, %dma_start3A_257] : memref<10000x128xf32, #tpu.memory_space<hbm>> -> memref<10000x128xf32, #tpu.memory_space<hbm>>
        tpu.enqueue_indirect_dma source(%dma_start3A_258 : memref<10000x128xf32, #tpu.memory_space<hbm>>) target(%arg17 : memref<80x128xf32, #tpu.memory_space<vmem>>) offsets(%arg14 : memref<80xi32, #tpu.memory_space<vmem>>) semaphore(%arg24 : memref<!tpu.dma_semaphore, #tpu.memory_space<semaphore_mem>>)
      } else {
      }
    }
    %scan3A_20 = arith.constant 41 : i32
    %dma_wait3A = arith.constant 0 : i32
    %dma_wait3A_21 = arith.constant 0 : i32
    %dma_wait3A_22 = tpu.memref_slice %arg2[%dma_wait3A, %dma_wait3A_21] : memref<10000x128xf32, #tpu.memory_space<hbm>> -> memref<80x128xf32, #tpu.memory_space<hbm>>
    %dma_wait3A_23 = arith.constant 0 : i32
    %dma_wait3A_24 = arith.constant 0 : i32
    %dma_wait3A_25 = tpu.memref_slice %arg2[%dma_wait3A_23, %dma_wait3A_24] : memref<10000x128xf32, #tpu.memory_space<hbm>> -> memref<80x128xf32, #tpu.memory_space<hbm>>
    tpu.wait_dma2 semaphore(%arg23 : memref<!tpu.dma_semaphore, #tpu.memory_space<semaphore_mem>>) src(%dma_wait3A_25 : memref<80x128xf32, #tpu.memory_space<hbm>>) dst(%arg16 : memref<80x128xf32, #tpu.memory_space<vmem>>)
    %dma_start3A_26 = arith.constant 123 : i32
    %dma_start3A_27 = arith.constant 0 : i32
    %dma_start3A_28 = tpu.memref_slice %arg12[%dma_start3A_26, %dma_start3A_27] : memref<125x80xi32, #tpu.memory_space<vmem>> -> memref<1x80xi32, #tpu.memory_space<vmem>>
    %dma_start3A_29 = tpu.memref_squeeze %dma_start3A_28 : memref<1x80xi32, #tpu.memory_space<vmem>> -> memref<80xi32, #tpu.memory_space<vmem>>
    %dma_start3A_30 = arith.constant 0 : i32
    %dma_start3A_31 = arith.constant 0 : i32
    %dma_start3A_32 = tpu.memref_slice %arg10[%dma_start3A_30, %dma_start3A_31] : memref<10000x128xf32, #tpu.memory_space<vmem_shared>> -> memref<10000x128xf32, #tpu.memory_space<vmem_shared>>
    tpu.enqueue_indirect_dma source(%arg16 : memref<80x128xf32, #tpu.memory_space<vmem>>) target(%dma_start3A_32 : memref<10000x128xf32, #tpu.memory_space<vmem_shared>>) offsets(%dma_start3A_29 : memref<80xi32, #tpu.memory_space<vmem>>) semaphore(%arg26 : memref<!tpu.dma_semaphore, #tpu.memory_space<semaphore_mem>>) {add = true}
    %dma_start3A_33 = arith.constant 123 : i32
    %dma_start3A_34 = arith.constant 0 : i32
    %dma_start3A_35 = tpu.memref_slice %arg12[%dma_start3A_33, %dma_start3A_34] : memref<125x80xi32, #tpu.memory_space<vmem>> -> memref<1x80xi32, #tpu.memory_space<vmem>>
    %dma_start3A_36 = tpu.memref_squeeze %dma_start3A_35 : memref<1x80xi32, #tpu.memory_space<vmem>> -> memref<80xi32, #tpu.memory_space<vmem>>
    %dma_start3A_37 = arith.constant 0 : i32
    %dma_start3A_38 = arith.constant 0 : i32
    %dma_start3A_39 = tpu.memref_slice %arg11[%dma_start3A_37, %dma_start3A_38] : memref<10000x16xbf16, #tpu.memory_space<vmem_shared>> -> memref<10000x16xbf16, #tpu.memory_space<vmem_shared>>
    tpu.enqueue_indirect_dma source(%arg19 : memref<80x16xbf16, #tpu.memory_space<vmem>>) target(%dma_start3A_39 : memref<10000x16xbf16, #tpu.memory_space<vmem_shared>>) offsets(%dma_start3A_36 : memref<80xi32, #tpu.memory_space<vmem>>) semaphore(%arg29 : memref<!tpu.dma_semaphore, #tpu.memory_space<semaphore_mem>>) {add = true}
    %dma_wait3A_40 = arith.constant 0 : i32
    %dma_wait3A_41 = arith.constant 0 : i32
    %dma_wait3A_42 = tpu.memref_slice %arg2[%dma_wait3A_40, %dma_wait3A_41] : memref<10000x128xf32, #tpu.memory_space<hbm>> -> memref<80x128xf32, #tpu.memory_space<hbm>>
    %dma_wait3A_43 = arith.constant 0 : i32
    %dma_wait3A_44 = arith.constant 0 : i32
    %dma_wait3A_45 = tpu.memref_slice %arg2[%dma_wait3A_43, %dma_wait3A_44] : memref<10000x128xf32, #tpu.memory_space<hbm>> -> memref<80x128xf32, #tpu.memory_space<hbm>>
    tpu.wait_dma2 semaphore(%arg28 : memref<!tpu.dma_semaphore, #tpu.memory_space<semaphore_mem>>) src(%dma_wait3A_45 : memref<80x128xf32, #tpu.memory_space<hbm>>) dst(%arg18 : memref<80x128xf32, #tpu.memory_space<vmem>>)
    %dma_wait3A_46 = arith.constant 0 : i32
    %dma_wait3A_47 = arith.constant 0 : i32
    %dma_wait3A_48 = tpu.memref_slice %arg2[%dma_wait3A_46, %dma_wait3A_47] : memref<10000x128xf32, #tpu.memory_space<hbm>> -> memref<80x128xf32, #tpu.memory_space<hbm>>
    %dma_wait3A_49 = arith.constant 0 : i32
    %dma_wait3A_50 = arith.constant 0 : i32
    %dma_wait3A_51 = tpu.memref_slice %arg2[%dma_wait3A_49, %dma_wait3A_50] : memref<10000x128xf32, #tpu.memory_space<hbm>> -> memref<80x128xf32, #tpu.memory_space<hbm>>
    tpu.wait_dma2 semaphore(%arg24 : memref<!tpu.dma_semaphore, #tpu.memory_space<semaphore_mem>>) src(%dma_wait3A_51 : memref<80x128xf32, #tpu.memory_space<hbm>>) dst(%arg17 : memref<80x128xf32, #tpu.memory_space<vmem>>)
    %dma_start3A_52 = arith.constant 124 : i32
    %dma_start3A_53 = arith.constant 0 : i32
    %dma_start3A_54 = tpu.memref_slice %arg12[%dma_start3A_52, %dma_start3A_53] : memref<125x80xi32, #tpu.memory_space<vmem>> -> memref<1x80xi32, #tpu.memory_space<vmem>>
    %dma_start3A_55 = tpu.memref_squeeze %dma_start3A_54 : memref<1x80xi32, #tpu.memory_space<vmem>> -> memref<80xi32, #tpu.memory_space<vmem>>
    %dma_start3A_56 = arith.constant 0 : i32
    %dma_start3A_57 = arith.constant 0 : i32
    %dma_start3A_58 = tpu.memref_slice %arg10[%dma_start3A_56, %dma_start3A_57] : memref<10000x128xf32, #tpu.memory_space<vmem_shared>> -> memref<10000x128xf32, #tpu.memory_space<vmem_shared>>
    tpu.enqueue_indirect_dma source(%arg17 : memref<80x128xf32, #tpu.memory_space<vmem>>) target(%dma_start3A_58 : memref<10000x128xf32, #tpu.memory_space<vmem_shared>>) offsets(%dma_start3A_55 : memref<80xi32, #tpu.memory_space<vmem>>) semaphore(%arg27 : memref<!tpu.dma_semaphore, #tpu.memory_space<semaphore_mem>>) {add = true}
    %dma_start3A_59 = arith.constant 124 : i32
    %dma_start3A_60 = arith.constant 0 : i32
    %dma_start3A_61 = tpu.memref_slice %arg12[%dma_start3A_59, %dma_start3A_60] : memref<125x80xi32, #tpu.memory_space<vmem>> -> memref<1x80xi32, #tpu.memory_space<vmem>>
    %dma_start3A_62 = tpu.memref_squeeze %dma_start3A_61 : memref<1x80xi32, #tpu.memory_space<vmem>> -> memref<80xi32, #tpu.memory_space<vmem>>
    %dma_start3A_63 = arith.constant 0 : i32
    %dma_start3A_64 = arith.constant 0 : i32
    %dma_start3A_65 = tpu.memref_slice %arg11[%dma_start3A_63, %dma_start3A_64] : memref<10000x16xbf16, #tpu.memory_space<vmem_shared>> -> memref<10000x16xbf16, #tpu.memory_space<vmem_shared>>
    tpu.enqueue_indirect_dma source(%arg19 : memref<80x16xbf16, #tpu.memory_space<vmem>>) target(%dma_start3A_65 : memref<10000x16xbf16, #tpu.memory_space<vmem_shared>>) offsets(%dma_start3A_62 : memref<80xi32, #tpu.memory_space<vmem>>) semaphore(%arg29 : memref<!tpu.dma_semaphore, #tpu.memory_space<semaphore_mem>>) {add = true}
    %dma_wait3A_66 = arith.constant 0 : i32
    %dma_wait3A_67 = arith.constant 0 : i32
    %dma_wait3A_68 = tpu.memref_slice %arg2[%dma_wait3A_66, %dma_wait3A_67] : memref<10000x128xf32, #tpu.memory_space<hbm>> -> memref<80x128xf32, #tpu.memory_space<hbm>>
    %dma_wait3A_69 = arith.constant 0 : i32
    %dma_wait3A_70 = arith.constant 0 : i32
    %dma_wait3A_71 = tpu.memref_slice %arg2[%dma_wait3A_69, %dma_wait3A_70] : memref<10000x128xf32, #tpu.memory_space<hbm>> -> memref<80x128xf32, #tpu.memory_space<hbm>>
    tpu.wait_dma2 semaphore(%arg26 : memref<!tpu.dma_semaphore, #tpu.memory_space<semaphore_mem>>) src(%dma_wait3A_71 : memref<80x128xf32, #tpu.memory_space<hbm>>) dst(%arg16 : memref<80x128xf32, #tpu.memory_space<vmem>>)
    %dma_wait3A_72 = arith.constant 0 : i32
    %dma_wait3A_73 = arith.constant 0 : i32
    %dma_wait3A_74 = tpu.memref_slice %arg2[%dma_wait3A_72, %dma_wait3A_73] : memref<10000x128xf32, #tpu.memory_space<hbm>> -> memref<80x128xf32, #tpu.memory_space<hbm>>
    %dma_wait3A_75 = arith.constant 0 : i32
    %dma_wait3A_76 = arith.constant 0 : i32
    %dma_wait3A_77 = tpu.memref_slice %arg2[%dma_wait3A_75, %dma_wait3A_76] : memref<10000x128xf32, #tpu.memory_space<hbm>> -> memref<80x128xf32, #tpu.memory_space<hbm>>
    tpu.wait_dma2 semaphore(%arg27 : memref<!tpu.dma_semaphore, #tpu.memory_space<semaphore_mem>>) src(%dma_wait3A_77 : memref<80x128xf32, #tpu.memory_space<hbm>>) dst(%arg17 : memref<80x128xf32, #tpu.memory_space<vmem>>)
    %scan3A_78 = arith.constant 0 : i32
    %scan3A_79 = arith.constant 0 : i32
    %scan3A_80 = arith.constant 125 : i32
    %scan3A_81 = arith.addi %scan3A_79, %scan3A_80 : i32
    %scan3A_82 = arith.constant 1 : i32
    scf.for %scan3A_95 = %scan3A_79 to %scan3A_81 step %scan3A_82  : i32 {
      tpu.wait_dma2 semaphore(%arg29 : memref<!tpu.dma_semaphore, #tpu.memory_space<semaphore_mem>>) src(%arg7 : memref<80x16xbf16, #tpu.memory_space<hbm>>) dst(%arg19 : memref<80x16xbf16, #tpu.memory_space<vmem>>)
    }
    %scan3A_83 = arith.constant 125 : i32
    %barrier3A_84 = arith.constant 0 : index
    tpu.barrier barrier_id(%barrier3A_84)
    %lt3A_85 = arith.constant 15 : i32
    %lt3A_86 = arith.cmpi slt, %arg1, %lt3A_85 : i32
    %convert_element_type3A_87 = arith.extui %lt3A_86 : i1 to i32
    %cond3A_88 = arith.constant 0 : i32
    %cond3A_89 = arith.cmpi ne, %convert_element_type3A_87, %cond3A_88 : i32
    scf.if %cond3A_89 {
      "tpu.region"() ({
        %run_scoped3A_95 = tpu.sem_alloc : memref<!tpu.dma_semaphore, #tpu.memory_space<semaphore_mem>>
        %dma_start3A_96 = arith.constant 0 : i32
        %dma_start3A_97 = tpu.memref_slice %arg8[%arg0, %mul3A_2, %dma_start3A_96] : memref<2x10000x128xf32, #tpu.memory_space<hbm>> -> memref<1x624x128xf32, #tpu.memory_space<hbm>>
        %dma_start3A_98 = tpu.memref_squeeze %dma_start3A_97 : memref<1x624x128xf32, #tpu.memory_space<hbm>> -> memref<624x128xf32, #tpu.memory_space<hbm>>
        %dma_start3A_99 = arith.constant 0 : i32
        %dma_start3A_100 = tpu.memref_slice %arg10[%mul3A_2, %dma_start3A_99] : memref<10000x128xf32, #tpu.memory_space<vmem_shared>> -> memref<624x128xf32, #tpu.memory_space<vmem_shared>>
        tpu.enqueue_dma source(%dma_start3A_100 : memref<624x128xf32, #tpu.memory_space<vmem_shared>>) target(%dma_start3A_98 : memref<624x128xf32, #tpu.memory_space<hbm>>) target_semaphore(%run_scoped3A_95 : memref<!tpu.dma_semaphore, #tpu.memory_space<semaphore_mem>>)
        %dma_wait3A_101 = arith.constant 0 : i32
        %dma_wait3A_102 = tpu.memref_slice %arg8[%arg0, %mul3A_2, %dma_wait3A_101] : memref<2x10000x128xf32, #tpu.memory_space<hbm>> -> memref<1x624x128xf32, #tpu.memory_space<hbm>>
        %dma_wait3A_103 = tpu.memref_squeeze %dma_wait3A_102 : memref<1x624x128xf32, #tpu.memory_space<hbm>> -> memref<624x128xf32, #tpu.memory_space<hbm>>
        %dma_wait3A_104 = arith.constant 0 : i32
        %dma_wait3A_105 = tpu.memref_slice %arg10[%mul3A_2, %dma_wait3A_104] : memref<10000x128xf32, #tpu.memory_space<vmem_shared>> -> memref<624x128xf32, #tpu.memory_space<vmem_shared>>
        tpu.wait_dma2 semaphore(%run_scoped3A_95 : memref<!tpu.dma_semaphore, #tpu.memory_space<semaphore_mem>>) src(%dma_wait3A_105 : memref<624x128xf32, #tpu.memory_space<vmem_shared>>) dst(%dma_wait3A_103 : memref<624x128xf32, #tpu.memory_space<hbm>>)
        tpu.yield
      }) : () -> ()
      "tpu.region"() ({
        %run_scoped3A_95 = tpu.sem_alloc : memref<!tpu.dma_semaphore, #tpu.memory_space<semaphore_mem>>
        %dma_start3A_96 = arith.constant 0 : i32
        %dma_start3A_97 = tpu.memref_slice %arg9[%arg0, %mul3A_2, %dma_start3A_96] : memref<2x10000x16xbf16, #tpu.memory_space<hbm>> -> memref<1x624x16xbf16, #tpu.memory_space<hbm>>
        %dma_start3A_98 = tpu.memref_squeeze %dma_start3A_97 : memref<1x624x16xbf16, #tpu.memory_space<hbm>> -> memref<624x16xbf16, #tpu.memory_space<hbm>>
        %dma_start3A_99 = arith.constant 0 : i32
        %dma_start3A_100 = tpu.memref_slice %arg11[%mul3A_2, %dma_start3A_99] : memref<10000x16xbf16, #tpu.memory_space<vmem_shared>> -> memref<624x16xbf16, #tpu.memory_space<vmem_shared>>
        tpu.enqueue_dma source(%dma_start3A_100 : memref<624x16xbf16, #tpu.memory_space<vmem_shared>>) target(%dma_start3A_98 : memref<624x16xbf16, #tpu.memory_space<hbm>>) target_semaphore(%run_scoped3A_95 : memref<!tpu.dma_semaphore, #tpu.memory_space<semaphore_mem>>)
        %dma_wait3A_101 = arith.constant 0 : i32
        %dma_wait3A_102 = tpu.memref_slice %arg9[%arg0, %mul3A_2, %dma_wait3A_101] : memref<2x10000x16xbf16, #tpu.memory_space<hbm>> -> memref<1x624x16xbf16, #tpu.memory_space<hbm>>
        %dma_wait3A_103 = tpu.memref_squeeze %dma_wait3A_102 : memref<1x624x16xbf16, #tpu.memory_space<hbm>> -> memref<624x16xbf16, #tpu.memory_space<hbm>>
        %dma_wait3A_104 = arith.constant 0 : i32
        %dma_wait3A_105 = tpu.memref_slice %arg11[%mul3A_2, %dma_wait3A_104] : memref<10000x16xbf16, #tpu.memory_space<vmem_shared>> -> memref<624x16xbf16, #tpu.memory_space<vmem_shared>>
        tpu.wait_dma2 semaphore(%run_scoped3A_95 : memref<!tpu.dma_semaphore, #tpu.memory_space<semaphore_mem>>) src(%dma_wait3A_105 : memref<624x16xbf16, #tpu.memory_space<vmem_shared>>) dst(%dma_wait3A_103 : memref<624x16xbf16, #tpu.memory_space<hbm>>)
        tpu.yield
      }) : () -> ()
    } else {
    }
    %eq3A_90 = arith.constant 15 : i32
    %eq3A_91 = arith.cmpi eq, %arg1, %eq3A_90 : i32
    %convert_element_type3A_92 = arith.extui %eq3A_91 : i1 to i32
    %cond3A_93 = arith.constant 0 : i32
    %cond3A_94 = arith.cmpi ne, %convert_element_type3A_92, %cond3A_93 : i32
    scf.if %cond3A_94 {
      "tpu.region"() ({
        %run_scoped3A_95 = tpu.sem_alloc : memref<!tpu.dma_semaphore, #tpu.memory_space<semaphore_mem>>
        %dma_start3A_96 = arith.constant 0 : i32
        %dma_start3A_97 = tpu.memref_slice %arg8[%arg0, %mul3A_2, %dma_start3A_96] : memref<2x10000x128xf32, #tpu.memory_space<hbm>> -> memref<1x640x128xf32, #tpu.memory_space<hbm>>
        %dma_start3A_98 = tpu.memref_squeeze %dma_start3A_97 : memref<1x640x128xf32, #tpu.memory_space<hbm>> -> memref<640x128xf32, #tpu.memory_space<hbm>>
        %dma_start3A_99 = arith.constant 0 : i32
        %dma_start3A_100 = tpu.memref_slice %arg10[%mul3A_2, %dma_start3A_99] : memref<10000x128xf32, #tpu.memory_space<vmem_shared>> -> memref<640x128xf32, #tpu.memory_space<vmem_shared>>
        tpu.enqueue_dma source(%dma_start3A_100 : memref<640x128xf32, #tpu.memory_space<vmem_shared>>) target(%dma_start3A_98 : memref<640x128xf32, #tpu.memory_space<hbm>>) target_semaphore(%run_scoped3A_95 : memref<!tpu.dma_semaphore, #tpu.memory_space<semaphore_mem>>)
        %dma_wait3A_101 = arith.constant 0 : i32
        %dma_wait3A_102 = tpu.memref_slice %arg8[%arg0, %mul3A_2, %dma_wait3A_101] : memref<2x10000x128xf32, #tpu.memory_space<hbm>> -> memref<1x640x128xf32, #tpu.memory_space<hbm>>
        %dma_wait3A_103 = tpu.memref_squeeze %dma_wait3A_102 : memref<1x640x128xf32, #tpu.memory_space<hbm>> -> memref<640x128xf32, #tpu.memory_space<hbm>>
        %dma_wait3A_104 = arith.constant 0 : i32
        %dma_wait3A_105 = tpu.memref_slice %arg10[%mul3A_2, %dma_wait3A_104] : memref<10000x128xf32, #tpu.memory_space<vmem_shared>> -> memref<640x128xf32, #tpu.memory_space<vmem_shared>>
        tpu.wait_dma2 semaphore(%run_scoped3A_95 : memref<!tpu.dma_semaphore, #tpu.memory_space<semaphore_mem>>) src(%dma_wait3A_105 : memref<640x128xf32, #tpu.memory_space<vmem_shared>>) dst(%dma_wait3A_103 : memref<640x128xf32, #tpu.memory_space<hbm>>)
        tpu.yield
      }) : () -> ()
      "tpu.region"() ({
        %run_scoped3A_95 = tpu.sem_alloc : memref<!tpu.dma_semaphore, #tpu.memory_space<semaphore_mem>>
        %dma_start3A_96 = arith.constant 0 : i32
        %dma_start3A_97 = tpu.memref_slice %arg9[%arg0, %mul3A_2, %dma_start3A_96] : memref<2x10000x16xbf16, #tpu.memory_space<hbm>> -> memref<1x640x16xbf16, #tpu.memory_space<hbm>>
        %dma_start3A_98 = tpu.memref_squeeze %dma_start3A_97 : memref<1x640x16xbf16, #tpu.memory_space<hbm>> -> memref<640x16xbf16, #tpu.memory_space<hbm>>
        %dma_start3A_99 = arith.constant 0 : i32
        %dma_start3A_100 = tpu.memref_slice %arg11[%mul3A_2, %dma_start3A_99] : memref<10000x16xbf16, #tpu.memory_space<vmem_shared>> -> memref<640x16xbf16, #tpu.memory_space<vmem_shared>>
        tpu.enqueue_dma source(%dma_start3A_100 : memref<640x16xbf16, #tpu.memory_space<vmem_shared>>) target(%dma_start3A_98 : memref<640x16xbf16, #tpu.memory_space<hbm>>) target_semaphore(%run_scoped3A_95 : memref<!tpu.dma_semaphore, #tpu.memory_space<semaphore_mem>>)
        %dma_wait3A_101 = arith.constant 0 : i32
        %dma_wait3A_102 = tpu.memref_slice %arg9[%arg0, %mul3A_2, %dma_wait3A_101] : memref<2x10000x16xbf16, #tpu.memory_space<hbm>> -> memref<1x640x16xbf16, #tpu.memory_space<hbm>>
        %dma_wait3A_103 = tpu.memref_squeeze %dma_wait3A_102 : memref<1x640x16xbf16, #tpu.memory_space<hbm>> -> memref<640x16xbf16, #tpu.memory_space<hbm>>
        %dma_wait3A_104 = arith.constant 0 : i32
        %dma_wait3A_105 = tpu.memref_slice %arg11[%mul3A_2, %dma_wait3A_104] : memref<10000x16xbf16, #tpu.memory_space<vmem_shared>> -> memref<640x16xbf16, #tpu.memory_space<vmem_shared>>
        tpu.wait_dma2 semaphore(%run_scoped3A_95 : memref<!tpu.dma_semaphore, #tpu.memory_space<semaphore_mem>>) src(%dma_wait3A_105 : memref<640x16xbf16, #tpu.memory_space<vmem_shared>>) dst(%dma_wait3A_103 : memref<640x16xbf16, #tpu.memory_space<hbm>>)
        tpu.yield
      }) : () -> ()
    } else {
    }
    return
  }
}

#map = affine_map<(d0, d1) -> (0, 0)>
#map1 = affine_map<(d0, d1) -> (0, 0, 0)>
module attributes {stable_mosaic.version = 14 : i64} {
  func.func @sc_agg2(%arg0: i32, %arg1: i32, %arg2: memref<10000x16xf32, #tpu.memory_space<hbm>>, %arg3: memref<32x125x80xi32, #tpu.memory_space<hbm>>, %arg4: memref<32x125x80xi32, #tpu.memory_space<hbm>>, %arg5: memref<640x16xf32, #tpu.memory_space<hbm>>, %arg6: memref<2x10000x16xf32, #tpu.memory_space<hbm>>, %arg7: memref<10000x16xf32, #tpu.memory_space<vmem_shared>>, %arg8: memref<125x80xi32, #tpu.memory_space<vmem>>, %arg9: memref<125x80xi32, #tpu.memory_space<vmem>>, %arg10: memref<80x16xf32, #tpu.memory_space<vmem>>, %arg11: memref<80x16xf32, #tpu.memory_space<vmem>>, %arg12: memref<80x16xf32, #tpu.memory_space<vmem>>, %arg13: memref<80x16xf32, #tpu.memory_space<vmem>>, %arg14: memref<80x16xf32, #tpu.memory_space<vmem>>, %arg15: memref<!tpu.dma_semaphore, #tpu.memory_space<semaphore_mem>>, %arg16: memref<!tpu.dma_semaphore, #tpu.memory_space<semaphore_mem>>, %arg17: memref<!tpu.dma_semaphore, #tpu.memory_space<semaphore_mem>>, %arg18: memref<!tpu.dma_semaphore, #tpu.memory_space<semaphore_mem>>, %arg19: memref<!tpu.dma_semaphore, #tpu.memory_space<semaphore_mem>>, %arg20: memref<!tpu.dma_semaphore, #tpu.memory_space<semaphore_mem>>, %arg21: memref<!tpu.dma_semaphore, #tpu.memory_space<semaphore_mem>>, %arg22: memref<!tpu.dma_semaphore, #tpu.memory_space<semaphore_mem>>, %arg23: memref<!tpu.dma_semaphore, #tpu.memory_space<semaphore_mem>>, %arg24: memref<!tpu.dma_semaphore, #tpu.memory_space<semaphore_mem>>) attributes {dimension_semantics = [#tpu.dimension_semantics<core_parallel>, #tpu.dimension_semantics<subcore_parallel>], iteration_bounds = array<i64: 2, 16>, scalar_prefetch = 0 : i64, scratch_operands = 18 : i64, tpu.core_type = #tpu.core_type<sc_vector_subcore>, window_params = [{transform_indices = #map}, {transform_indices = #map1}, {transform_indices = #map1}, {transform_indices = #map}, {transform_indices = #map1}]} {
    %mul3A = arith.constant 16 : i32
    %mul3A_0 = arith.muli %arg0, %mul3A : i32
    %add3A = arith.addi %mul3A_0, %arg1 : i32
    %mul3A_1 = arith.constant 624 : i32
    %mul3A_2 = arith.muli %arg1, %mul3A_1 : i32
    %lt3A = arith.constant 15 : i32
    %lt3A_3 = arith.cmpi slt, %arg1, %lt3A : i32
    %convert_element_type3A = arith.extui %lt3A_3 : i1 to i32
    %cond3A = arith.constant 0 : i32
    %cond3A_4 = arith.cmpi ne, %convert_element_type3A, %cond3A : i32
    scf.if %cond3A_4 {
      "tpu.region"() ({
        %run_scoped3A = tpu.sem_alloc : memref<!tpu.dma_semaphore, #tpu.memory_space<semaphore_mem>>
        %dma_start3A_57 = arith.constant 0 : i32
        %dma_start3A_58 = tpu.memref_slice %arg7[%mul3A_2, %dma_start3A_57] : memref<10000x16xf32, #tpu.memory_space<vmem_shared>> -> memref<624x16xf32, #tpu.memory_space<vmem_shared>>
        %dma_start3A_59 = arith.constant 0 : i32
        %dma_start3A_60 = arith.constant 0 : i32
        %dma_start3A_61 = tpu.memref_slice %arg5[%dma_start3A_59, %dma_start3A_60] : memref<640x16xf32, #tpu.memory_space<hbm>> -> memref<624x16xf32, #tpu.memory_space<hbm>>
        tpu.enqueue_dma source(%dma_start3A_61 : memref<624x16xf32, #tpu.memory_space<hbm>>) target(%dma_start3A_58 : memref<624x16xf32, #tpu.memory_space<vmem_shared>>) target_semaphore(%run_scoped3A : memref<!tpu.dma_semaphore, #tpu.memory_space<semaphore_mem>>)
        %dma_wait3A_62 = arith.constant 0 : i32
        %dma_wait3A_63 = tpu.memref_slice %arg7[%mul3A_2, %dma_wait3A_62] : memref<10000x16xf32, #tpu.memory_space<vmem_shared>> -> memref<624x16xf32, #tpu.memory_space<vmem_shared>>
        %dma_wait3A_64 = arith.constant 0 : i32
        %dma_wait3A_65 = arith.constant 0 : i32
        %dma_wait3A_66 = tpu.memref_slice %arg5[%dma_wait3A_64, %dma_wait3A_65] : memref<640x16xf32, #tpu.memory_space<hbm>> -> memref<624x16xf32, #tpu.memory_space<hbm>>
        tpu.wait_dma2 semaphore(%run_scoped3A : memref<!tpu.dma_semaphore, #tpu.memory_space<semaphore_mem>>) src(%dma_wait3A_66 : memref<624x16xf32, #tpu.memory_space<hbm>>) dst(%dma_wait3A_63 : memref<624x16xf32, #tpu.memory_space<vmem_shared>>)
        tpu.yield
      }) : () -> ()
    } else {
    }
    %eq3A = arith.constant 15 : i32
    %eq3A_5 = arith.cmpi eq, %arg1, %eq3A : i32
    %convert_element_type3A_6 = arith.extui %eq3A_5 : i1 to i32
    %cond3A_7 = arith.constant 0 : i32
    %cond3A_8 = arith.cmpi ne, %convert_element_type3A_6, %cond3A_7 : i32
    scf.if %cond3A_8 {
      "tpu.region"() ({
        %run_scoped3A = tpu.sem_alloc : memref<!tpu.dma_semaphore, #tpu.memory_space<semaphore_mem>>
        %dma_start3A_57 = arith.constant 0 : i32
        %dma_start3A_58 = tpu.memref_slice %arg7[%mul3A_2, %dma_start3A_57] : memref<10000x16xf32, #tpu.memory_space<vmem_shared>> -> memref<640x16xf32, #tpu.memory_space<vmem_shared>>
        %dma_start3A_59 = arith.constant 0 : i32
        %dma_start3A_60 = arith.constant 0 : i32
        %dma_start3A_61 = tpu.memref_slice %arg5[%dma_start3A_59, %dma_start3A_60] : memref<640x16xf32, #tpu.memory_space<hbm>> -> memref<640x16xf32, #tpu.memory_space<hbm>>
        tpu.enqueue_dma source(%dma_start3A_61 : memref<640x16xf32, #tpu.memory_space<hbm>>) target(%dma_start3A_58 : memref<640x16xf32, #tpu.memory_space<vmem_shared>>) target_semaphore(%run_scoped3A : memref<!tpu.dma_semaphore, #tpu.memory_space<semaphore_mem>>)
        %dma_wait3A_62 = arith.constant 0 : i32
        %dma_wait3A_63 = tpu.memref_slice %arg7[%mul3A_2, %dma_wait3A_62] : memref<10000x16xf32, #tpu.memory_space<vmem_shared>> -> memref<640x16xf32, #tpu.memory_space<vmem_shared>>
        %dma_wait3A_64 = arith.constant 0 : i32
        %dma_wait3A_65 = arith.constant 0 : i32
        %dma_wait3A_66 = tpu.memref_slice %arg5[%dma_wait3A_64, %dma_wait3A_65] : memref<640x16xf32, #tpu.memory_space<hbm>> -> memref<640x16xf32, #tpu.memory_space<hbm>>
        tpu.wait_dma2 semaphore(%run_scoped3A : memref<!tpu.dma_semaphore, #tpu.memory_space<semaphore_mem>>) src(%dma_wait3A_66 : memref<640x16xf32, #tpu.memory_space<hbm>>) dst(%dma_wait3A_63 : memref<640x16xf32, #tpu.memory_space<vmem_shared>>)
        tpu.yield
      }) : () -> ()
    } else {
    }
    "tpu.region"() ({
      %run_scoped3A = tpu.sem_alloc : memref<!tpu.dma_semaphore, #tpu.memory_space<semaphore_mem>>
      %dma_start3A_57 = arith.constant 0 : i32
      %dma_start3A_58 = arith.constant 0 : i32
      %dma_start3A_59 = tpu.memref_slice %arg3[%add3A, %dma_start3A_57, %dma_start3A_58] : memref<32x125x80xi32, #tpu.memory_space<hbm>> -> memref<1x125x80xi32, #tpu.memory_space<hbm>>
      %dma_start3A_60 = tpu.memref_squeeze %dma_start3A_59 : memref<1x125x80xi32, #tpu.memory_space<hbm>> -> memref<125x80xi32, #tpu.memory_space<hbm>>
      %dma_start3A_61 = arith.constant 0 : i32
      %dma_start3A_62 = arith.constant 0 : i32
      %dma_start3A_63 = tpu.memref_slice %arg3[%add3A, %dma_start3A_61, %dma_start3A_62] : memref<32x125x80xi32, #tpu.memory_space<hbm>> -> memref<1x125x80xi32, #tpu.memory_space<hbm>>
      %dma_start3A_64 = tpu.memref_squeeze %dma_start3A_63 : memref<1x125x80xi32, #tpu.memory_space<hbm>> -> memref<125x80xi32, #tpu.memory_space<hbm>>
      tpu.enqueue_dma source(%dma_start3A_64 : memref<125x80xi32, #tpu.memory_space<hbm>>) target(%arg8 : memref<125x80xi32, #tpu.memory_space<vmem>>) target_semaphore(%run_scoped3A : memref<!tpu.dma_semaphore, #tpu.memory_space<semaphore_mem>>)
      %dma_wait3A_65 = arith.constant 0 : i32
      %dma_wait3A_66 = arith.constant 0 : i32
      %dma_wait3A_67 = tpu.memref_slice %arg3[%add3A, %dma_wait3A_65, %dma_wait3A_66] : memref<32x125x80xi32, #tpu.memory_space<hbm>> -> memref<1x125x80xi32, #tpu.memory_space<hbm>>
      %dma_wait3A_68 = tpu.memref_squeeze %dma_wait3A_67 : memref<1x125x80xi32, #tpu.memory_space<hbm>> -> memref<125x80xi32, #tpu.memory_space<hbm>>
      %dma_wait3A_69 = arith.constant 0 : i32
      %dma_wait3A_70 = arith.constant 0 : i32
      %dma_wait3A_71 = tpu.memref_slice %arg3[%add3A, %dma_wait3A_69, %dma_wait3A_70] : memref<32x125x80xi32, #tpu.memory_space<hbm>> -> memref<1x125x80xi32, #tpu.memory_space<hbm>>
      %dma_wait3A_72 = tpu.memref_squeeze %dma_wait3A_71 : memref<1x125x80xi32, #tpu.memory_space<hbm>> -> memref<125x80xi32, #tpu.memory_space<hbm>>
      tpu.wait_dma2 semaphore(%run_scoped3A : memref<!tpu.dma_semaphore, #tpu.memory_space<semaphore_mem>>) src(%dma_wait3A_72 : memref<125x80xi32, #tpu.memory_space<hbm>>) dst(%arg8 : memref<125x80xi32, #tpu.memory_space<vmem>>)
      tpu.yield
    }) : () -> ()
    "tpu.region"() ({
      %run_scoped3A = tpu.sem_alloc : memref<!tpu.dma_semaphore, #tpu.memory_space<semaphore_mem>>
      %dma_start3A_57 = arith.constant 0 : i32
      %dma_start3A_58 = arith.constant 0 : i32
      %dma_start3A_59 = tpu.memref_slice %arg4[%add3A, %dma_start3A_57, %dma_start3A_58] : memref<32x125x80xi32, #tpu.memory_space<hbm>> -> memref<1x125x80xi32, #tpu.memory_space<hbm>>
      %dma_start3A_60 = tpu.memref_squeeze %dma_start3A_59 : memref<1x125x80xi32, #tpu.memory_space<hbm>> -> memref<125x80xi32, #tpu.memory_space<hbm>>
      %dma_start3A_61 = arith.constant 0 : i32
      %dma_start3A_62 = arith.constant 0 : i32
      %dma_start3A_63 = tpu.memref_slice %arg4[%add3A, %dma_start3A_61, %dma_start3A_62] : memref<32x125x80xi32, #tpu.memory_space<hbm>> -> memref<1x125x80xi32, #tpu.memory_space<hbm>>
      %dma_start3A_64 = tpu.memref_squeeze %dma_start3A_63 : memref<1x125x80xi32, #tpu.memory_space<hbm>> -> memref<125x80xi32, #tpu.memory_space<hbm>>
      tpu.enqueue_dma source(%dma_start3A_64 : memref<125x80xi32, #tpu.memory_space<hbm>>) target(%arg9 : memref<125x80xi32, #tpu.memory_space<vmem>>) target_semaphore(%run_scoped3A : memref<!tpu.dma_semaphore, #tpu.memory_space<semaphore_mem>>)
      %dma_wait3A_65 = arith.constant 0 : i32
      %dma_wait3A_66 = arith.constant 0 : i32
      %dma_wait3A_67 = tpu.memref_slice %arg4[%add3A, %dma_wait3A_65, %dma_wait3A_66] : memref<32x125x80xi32, #tpu.memory_space<hbm>> -> memref<1x125x80xi32, #tpu.memory_space<hbm>>
      %dma_wait3A_68 = tpu.memref_squeeze %dma_wait3A_67 : memref<1x125x80xi32, #tpu.memory_space<hbm>> -> memref<125x80xi32, #tpu.memory_space<hbm>>
      %dma_wait3A_69 = arith.constant 0 : i32
      %dma_wait3A_70 = arith.constant 0 : i32
      %dma_wait3A_71 = tpu.memref_slice %arg4[%add3A, %dma_wait3A_69, %dma_wait3A_70] : memref<32x125x80xi32, #tpu.memory_space<hbm>> -> memref<1x125x80xi32, #tpu.memory_space<hbm>>
      %dma_wait3A_72 = tpu.memref_squeeze %dma_wait3A_71 : memref<1x125x80xi32, #tpu.memory_space<hbm>> -> memref<125x80xi32, #tpu.memory_space<hbm>>
      tpu.wait_dma2 semaphore(%run_scoped3A : memref<!tpu.dma_semaphore, #tpu.memory_space<semaphore_mem>>) src(%dma_wait3A_72 : memref<125x80xi32, #tpu.memory_space<hbm>>) dst(%arg9 : memref<125x80xi32, #tpu.memory_space<vmem>>)
      tpu.yield
    }) : () -> ()
    %barrier3A = arith.constant 0 : index
    tpu.barrier barrier_id(%barrier3A)
    %dma_start3A = arith.constant 0 : i32
    %dma_start3A_9 = arith.constant 0 : i32
    %dma_start3A_10 = tpu.memref_slice %arg8[%dma_start3A, %dma_start3A_9] : memref<125x80xi32, #tpu.memory_space<vmem>> -> memref<1x80xi32, #tpu.memory_space<vmem>>
    %dma_start3A_11 = tpu.memref_squeeze %dma_start3A_10 : memref<1x80xi32, #tpu.memory_space<vmem>> -> memref<80xi32, #tpu.memory_space<vmem>>
    %dma_start3A_12 = arith.constant 0 : i32
    %dma_start3A_13 = arith.constant 0 : i32
    %dma_start3A_14 = tpu.memref_slice %arg2[%dma_start3A_12, %dma_start3A_13] : memref<10000x16xf32, #tpu.memory_space<hbm>> -> memref<10000x16xf32, #tpu.memory_space<hbm>>
    tpu.enqueue_indirect_dma source(%dma_start3A_14 : memref<10000x16xf32, #tpu.memory_space<hbm>>) target(%arg10 : memref<80x16xf32, #tpu.memory_space<vmem>>) offsets(%dma_start3A_11 : memref<80xi32, #tpu.memory_space<vmem>>) semaphore(%arg15 : memref<!tpu.dma_semaphore, #tpu.memory_space<semaphore_mem>>)
    %dma_start3A_15 = arith.constant 1 : i32
    %dma_start3A_16 = arith.constant 0 : i32
    %dma_start3A_17 = tpu.memref_slice %arg8[%dma_start3A_15, %dma_start3A_16] : memref<125x80xi32, #tpu.memory_space<vmem>> -> memref<1x80xi32, #tpu.memory_space<vmem>>
    %dma_start3A_18 = tpu.memref_squeeze %dma_start3A_17 : memref<1x80xi32, #tpu.memory_space<vmem>> -> memref<80xi32, #tpu.memory_space<vmem>>
    %dma_start3A_19 = arith.constant 0 : i32
    %dma_start3A_20 = arith.constant 0 : i32
    %dma_start3A_21 = tpu.memref_slice %arg2[%dma_start3A_19, %dma_start3A_20] : memref<10000x16xf32, #tpu.memory_space<hbm>> -> memref<10000x16xf32, #tpu.memory_space<hbm>>
    tpu.enqueue_indirect_dma source(%dma_start3A_21 : memref<10000x16xf32, #tpu.memory_space<hbm>>) target(%arg11 : memref<80x16xf32, #tpu.memory_space<vmem>>) offsets(%dma_start3A_18 : memref<80xi32, #tpu.memory_space<vmem>>) semaphore(%arg16 : memref<!tpu.dma_semaphore, #tpu.memory_space<semaphore_mem>>)
    %dma_start3A_22 = arith.constant 2 : i32
    %dma_start3A_23 = arith.constant 0 : i32
    %dma_start3A_24 = tpu.memref_slice %arg8[%dma_start3A_22, %dma_start3A_23] : memref<125x80xi32, #tpu.memory_space<vmem>> -> memref<1x80xi32, #tpu.memory_space<vmem>>
    %dma_start3A_25 = tpu.memref_squeeze %dma_start3A_24 : memref<1x80xi32, #tpu.memory_space<vmem>> -> memref<80xi32, #tpu.memory_space<vmem>>
    %dma_start3A_26 = arith.constant 0 : i32
    %dma_start3A_27 = arith.constant 0 : i32
    %dma_start3A_28 = tpu.memref_slice %arg2[%dma_start3A_26, %dma_start3A_27] : memref<10000x16xf32, #tpu.memory_space<hbm>> -> memref<10000x16xf32, #tpu.memory_space<hbm>>
    tpu.enqueue_indirect_dma source(%dma_start3A_28 : memref<10000x16xf32, #tpu.memory_space<hbm>>) target(%arg12 : memref<80x16xf32, #tpu.memory_space<vmem>>) offsets(%dma_start3A_25 : memref<80xi32, #tpu.memory_space<vmem>>) semaphore(%arg17 : memref<!tpu.dma_semaphore, #tpu.memory_space<semaphore_mem>>)
    %dma_start3A_29 = arith.constant 3 : i32
    %dma_start3A_30 = arith.constant 0 : i32
    %dma_start3A_31 = tpu.memref_slice %arg8[%dma_start3A_29, %dma_start3A_30] : memref<125x80xi32, #tpu.memory_space<vmem>> -> memref<1x80xi32, #tpu.memory_space<vmem>>
    %dma_start3A_32 = tpu.memref_squeeze %dma_start3A_31 : memref<1x80xi32, #tpu.memory_space<vmem>> -> memref<80xi32, #tpu.memory_space<vmem>>
    %dma_start3A_33 = arith.constant 0 : i32
    %dma_start3A_34 = arith.constant 0 : i32
    %dma_start3A_35 = tpu.memref_slice %arg2[%dma_start3A_33, %dma_start3A_34] : memref<10000x16xf32, #tpu.memory_space<hbm>> -> memref<10000x16xf32, #tpu.memory_space<hbm>>
    tpu.enqueue_indirect_dma source(%dma_start3A_35 : memref<10000x16xf32, #tpu.memory_space<hbm>>) target(%arg13 : memref<80x16xf32, #tpu.memory_space<vmem>>) offsets(%dma_start3A_32 : memref<80xi32, #tpu.memory_space<vmem>>) semaphore(%arg18 : memref<!tpu.dma_semaphore, #tpu.memory_space<semaphore_mem>>)
    %scan3A = arith.constant 0 : i32
    %scan3A_36 = arith.constant 0 : i32
    %scan3A_37 = arith.constant 25 : i32
    %scan3A_38 = arith.addi %scan3A_36, %scan3A_37 : i32
    %scan3A_39 = arith.constant 1 : i32
    scf.for %scan3A_57 = %scan3A_36 to %scan3A_38 step %scan3A_39  : i32 {
      %mul3A_58 = arith.constant 5 : i32
      %mul3A_59 = arith.muli %mul3A_58, %scan3A_57 : i32
      %add3A_60 = arith.constant 0 : i32
      %add3A_61 = arith.addi %mul3A_59, %add3A_60 : i32
      %dma_wait3A_62 = arith.constant 0 : i32
      %dma_wait3A_63 = arith.constant 0 : i32
      %dma_wait3A_64 = tpu.memref_slice %arg2[%dma_wait3A_62, %dma_wait3A_63] : memref<10000x16xf32, #tpu.memory_space<hbm>> -> memref<80x16xf32, #tpu.memory_space<hbm>>
      %dma_wait3A_65 = arith.constant 0 : i32
      %dma_wait3A_66 = arith.constant 0 : i32
      %dma_wait3A_67 = tpu.memref_slice %arg2[%dma_wait3A_65, %dma_wait3A_66] : memref<10000x16xf32, #tpu.memory_space<hbm>> -> memref<80x16xf32, #tpu.memory_space<hbm>>
      tpu.wait_dma2 semaphore(%arg15 : memref<!tpu.dma_semaphore, #tpu.memory_space<semaphore_mem>>) src(%dma_wait3A_67 : memref<80x16xf32, #tpu.memory_space<hbm>>) dst(%arg10 : memref<80x16xf32, #tpu.memory_space<vmem>>)
      %dma_start3A_68 = arith.constant 0 : i32
      %dma_start3A_69 = tpu.memref_slice %arg9[%add3A_61, %dma_start3A_68] : memref<125x80xi32, #tpu.memory_space<vmem>> -> memref<1x80xi32, #tpu.memory_space<vmem>>
      %dma_start3A_70 = tpu.memref_squeeze %dma_start3A_69 : memref<1x80xi32, #tpu.memory_space<vmem>> -> memref<80xi32, #tpu.memory_space<vmem>>
      %dma_start3A_71 = arith.constant 0 : i32
      %dma_start3A_72 = arith.constant 0 : i32
      %dma_start3A_73 = tpu.memref_slice %arg7[%dma_start3A_71, %dma_start3A_72] : memref<10000x16xf32, #tpu.memory_space<vmem_shared>> -> memref<10000x16xf32, #tpu.memory_space<vmem_shared>>
      tpu.enqueue_indirect_dma source(%arg10 : memref<80x16xf32, #tpu.memory_space<vmem>>) target(%dma_start3A_73 : memref<10000x16xf32, #tpu.memory_space<vmem_shared>>) offsets(%dma_start3A_70 : memref<80xi32, #tpu.memory_space<vmem>>) semaphore(%arg20 : memref<!tpu.dma_semaphore, #tpu.memory_space<semaphore_mem>>) {add = true}
      %add3A_74 = arith.constant 4 : i32
      %add3A_75 = arith.addi %add3A_61, %add3A_74 : i32
      %sub3A = arith.constant 5 : i32
      %sub3A_76 = arith.subi %add3A_75, %sub3A : i32
      %ge3A = arith.constant 0 : i32
      %ge3A_77 = arith.cmpi sge, %sub3A_76, %ge3A : i32
      %convert_element_type3A_78 = arith.extui %ge3A_77 : i1 to i32
      %cond3A_79 = arith.constant 0 : i32
      %cond3A_80 = arith.cmpi ne, %convert_element_type3A_78, %cond3A_79 : i32
      scf.if %cond3A_80 {
        %dma_wait3A_198 = arith.constant 0 : i32
        %dma_wait3A_199 = arith.constant 0 : i32
        %dma_wait3A_200 = tpu.memref_slice %arg2[%dma_wait3A_198, %dma_wait3A_199] : memref<10000x16xf32, #tpu.memory_space<hbm>> -> memref<80x16xf32, #tpu.memory_space<hbm>>
        %dma_wait3A_201 = arith.constant 0 : i32
        %dma_wait3A_202 = arith.constant 0 : i32
        %dma_wait3A_203 = tpu.memref_slice %arg2[%dma_wait3A_201, %dma_wait3A_202] : memref<10000x16xf32, #tpu.memory_space<hbm>> -> memref<80x16xf32, #tpu.memory_space<hbm>>
        tpu.wait_dma2 semaphore(%arg24 : memref<!tpu.dma_semaphore, #tpu.memory_space<semaphore_mem>>) src(%dma_wait3A_203 : memref<80x16xf32, #tpu.memory_space<hbm>>) dst(%arg14 : memref<80x16xf32, #tpu.memory_space<vmem>>)
      } else {
      }
      %lt3A_81 = arith.constant 125 : i32
      %lt3A_82 = arith.cmpi slt, %add3A_75, %lt3A_81 : i32
      %convert_element_type3A_83 = arith.extui %lt3A_82 : i1 to i32
      %cond3A_84 = arith.constant 0 : i32
      %cond3A_85 = arith.cmpi ne, %convert_element_type3A_83, %cond3A_84 : i32
      scf.if %cond3A_85 {
        %dma_start3A_198 = arith.constant 0 : i32
        %dma_start3A_199 = tpu.memref_slice %arg8[%add3A_75, %dma_start3A_198] : memref<125x80xi32, #tpu.memory_space<vmem>> -> memref<1x80xi32, #tpu.memory_space<vmem>>
        %dma_start3A_200 = tpu.memref_squeeze %dma_start3A_199 : memref<1x80xi32, #tpu.memory_space<vmem>> -> memref<80xi32, #tpu.memory_space<vmem>>
        %dma_start3A_201 = arith.constant 0 : i32
        %dma_start3A_202 = arith.constant 0 : i32
        %dma_start3A_203 = tpu.memref_slice %arg2[%dma_start3A_201, %dma_start3A_202] : memref<10000x16xf32, #tpu.memory_space<hbm>> -> memref<10000x16xf32, #tpu.memory_space<hbm>>
        tpu.enqueue_indirect_dma source(%dma_start3A_203 : memref<10000x16xf32, #tpu.memory_space<hbm>>) target(%arg14 : memref<80x16xf32, #tpu.memory_space<vmem>>) offsets(%dma_start3A_200 : memref<80xi32, #tpu.memory_space<vmem>>) semaphore(%arg19 : memref<!tpu.dma_semaphore, #tpu.memory_space<semaphore_mem>>)
      } else {
      }
      %add3A_86 = arith.constant 1 : i32
      %add3A_87 = arith.addi %mul3A_59, %add3A_86 : i32
      %dma_wait3A_88 = arith.constant 0 : i32
      %dma_wait3A_89 = arith.constant 0 : i32
      %dma_wait3A_90 = tpu.memref_slice %arg2[%dma_wait3A_88, %dma_wait3A_89] : memref<10000x16xf32, #tpu.memory_space<hbm>> -> memref<80x16xf32, #tpu.memory_space<hbm>>
      %dma_wait3A_91 = arith.constant 0 : i32
      %dma_wait3A_92 = arith.constant 0 : i32
      %dma_wait3A_93 = tpu.memref_slice %arg2[%dma_wait3A_91, %dma_wait3A_92] : memref<10000x16xf32, #tpu.memory_space<hbm>> -> memref<80x16xf32, #tpu.memory_space<hbm>>
      tpu.wait_dma2 semaphore(%arg16 : memref<!tpu.dma_semaphore, #tpu.memory_space<semaphore_mem>>) src(%dma_wait3A_93 : memref<80x16xf32, #tpu.memory_space<hbm>>) dst(%arg11 : memref<80x16xf32, #tpu.memory_space<vmem>>)
      %dma_start3A_94 = arith.constant 0 : i32
      %dma_start3A_95 = tpu.memref_slice %arg9[%add3A_87, %dma_start3A_94] : memref<125x80xi32, #tpu.memory_space<vmem>> -> memref<1x80xi32, #tpu.memory_space<vmem>>
      %dma_start3A_96 = tpu.memref_squeeze %dma_start3A_95 : memref<1x80xi32, #tpu.memory_space<vmem>> -> memref<80xi32, #tpu.memory_space<vmem>>
      %dma_start3A_97 = arith.constant 0 : i32
      %dma_start3A_98 = arith.constant 0 : i32
      %dma_start3A_99 = tpu.memref_slice %arg7[%dma_start3A_97, %dma_start3A_98] : memref<10000x16xf32, #tpu.memory_space<vmem_shared>> -> memref<10000x16xf32, #tpu.memory_space<vmem_shared>>
      tpu.enqueue_indirect_dma source(%arg11 : memref<80x16xf32, #tpu.memory_space<vmem>>) target(%dma_start3A_99 : memref<10000x16xf32, #tpu.memory_space<vmem_shared>>) offsets(%dma_start3A_96 : memref<80xi32, #tpu.memory_space<vmem>>) semaphore(%arg21 : memref<!tpu.dma_semaphore, #tpu.memory_space<semaphore_mem>>) {add = true}
      %add3A_100 = arith.constant 4 : i32
      %add3A_101 = arith.addi %add3A_87, %add3A_100 : i32
      %sub3A_102 = arith.constant 5 : i32
      %sub3A_103 = arith.subi %add3A_101, %sub3A_102 : i32
      %ge3A_104 = arith.constant 0 : i32
      %ge3A_105 = arith.cmpi sge, %sub3A_103, %ge3A_104 : i32
      %convert_element_type3A_106 = arith.extui %ge3A_105 : i1 to i32
      %cond3A_107 = arith.constant 0 : i32
      %cond3A_108 = arith.cmpi ne, %convert_element_type3A_106, %cond3A_107 : i32
      scf.if %cond3A_108 {
        %dma_wait3A_198 = arith.constant 0 : i32
        %dma_wait3A_199 = arith.constant 0 : i32
        %dma_wait3A_200 = tpu.memref_slice %arg2[%dma_wait3A_198, %dma_wait3A_199] : memref<10000x16xf32, #tpu.memory_space<hbm>> -> memref<80x16xf32, #tpu.memory_space<hbm>>
        %dma_wait3A_201 = arith.constant 0 : i32
        %dma_wait3A_202 = arith.constant 0 : i32
        %dma_wait3A_203 = tpu.memref_slice %arg2[%dma_wait3A_201, %dma_wait3A_202] : memref<10000x16xf32, #tpu.memory_space<hbm>> -> memref<80x16xf32, #tpu.memory_space<hbm>>
        tpu.wait_dma2 semaphore(%arg20 : memref<!tpu.dma_semaphore, #tpu.memory_space<semaphore_mem>>) src(%dma_wait3A_203 : memref<80x16xf32, #tpu.memory_space<hbm>>) dst(%arg10 : memref<80x16xf32, #tpu.memory_space<vmem>>)
      } else {
      }
      %lt3A_109 = arith.constant 125 : i32
      %lt3A_110 = arith.cmpi slt, %add3A_101, %lt3A_109 : i32
      %convert_element_type3A_111 = arith.extui %lt3A_110 : i1 to i32
      %cond3A_112 = arith.constant 0 : i32
      %cond3A_113 = arith.cmpi ne, %convert_element_type3A_111, %cond3A_112 : i32
      scf.if %cond3A_113 {
        %dma_start3A_198 = arith.constant 0 : i32
        %dma_start3A_199 = tpu.memref_slice %arg8[%add3A_101, %dma_start3A_198] : memref<125x80xi32, #tpu.memory_space<vmem>> -> memref<1x80xi32, #tpu.memory_space<vmem>>
        %dma_start3A_200 = tpu.memref_squeeze %dma_start3A_199 : memref<1x80xi32, #tpu.memory_space<vmem>> -> memref<80xi32, #tpu.memory_space<vmem>>
        %dma_start3A_201 = arith.constant 0 : i32
        %dma_start3A_202 = arith.constant 0 : i32
        %dma_start3A_203 = tpu.memref_slice %arg2[%dma_start3A_201, %dma_start3A_202] : memref<10000x16xf32, #tpu.memory_space<hbm>> -> memref<10000x16xf32, #tpu.memory_space<hbm>>
        tpu.enqueue_indirect_dma source(%dma_start3A_203 : memref<10000x16xf32, #tpu.memory_space<hbm>>) target(%arg10 : memref<80x16xf32, #tpu.memory_space<vmem>>) offsets(%dma_start3A_200 : memref<80xi32, #tpu.memory_space<vmem>>) semaphore(%arg15 : memref<!tpu.dma_semaphore, #tpu.memory_space<semaphore_mem>>)
      } else {
      }
      %add3A_114 = arith.constant 2 : i32
      %add3A_115 = arith.addi %mul3A_59, %add3A_114 : i32
      %dma_wait3A_116 = arith.constant 0 : i32
      %dma_wait3A_117 = arith.constant 0 : i32
      %dma_wait3A_118 = tpu.memref_slice %arg2[%dma_wait3A_116, %dma_wait3A_117] : memref<10000x16xf32, #tpu.memory_space<hbm>> -> memref<80x16xf32, #tpu.memory_space<hbm>>
      %dma_wait3A_119 = arith.constant 0 : i32
      %dma_wait3A_120 = arith.constant 0 : i32
      %dma_wait3A_121 = tpu.memref_slice %arg2[%dma_wait3A_119, %dma_wait3A_120] : memref<10000x16xf32, #tpu.memory_space<hbm>> -> memref<80x16xf32, #tpu.memory_space<hbm>>
      tpu.wait_dma2 semaphore(%arg17 : memref<!tpu.dma_semaphore, #tpu.memory_space<semaphore_mem>>) src(%dma_wait3A_121 : memref<80x16xf32, #tpu.memory_space<hbm>>) dst(%arg12 : memref<80x16xf32, #tpu.memory_space<vmem>>)
      %dma_start3A_122 = arith.constant 0 : i32
      %dma_start3A_123 = tpu.memref_slice %arg9[%add3A_115, %dma_start3A_122] : memref<125x80xi32, #tpu.memory_space<vmem>> -> memref<1x80xi32, #tpu.memory_space<vmem>>
      %dma_start3A_124 = tpu.memref_squeeze %dma_start3A_123 : memref<1x80xi32, #tpu.memory_space<vmem>> -> memref<80xi32, #tpu.memory_space<vmem>>
      %dma_start3A_125 = arith.constant 0 : i32
      %dma_start3A_126 = arith.constant 0 : i32
      %dma_start3A_127 = tpu.memref_slice %arg7[%dma_start3A_125, %dma_start3A_126] : memref<10000x16xf32, #tpu.memory_space<vmem_shared>> -> memref<10000x16xf32, #tpu.memory_space<vmem_shared>>
      tpu.enqueue_indirect_dma source(%arg12 : memref<80x16xf32, #tpu.memory_space<vmem>>) target(%dma_start3A_127 : memref<10000x16xf32, #tpu.memory_space<vmem_shared>>) offsets(%dma_start3A_124 : memref<80xi32, #tpu.memory_space<vmem>>) semaphore(%arg22 : memref<!tpu.dma_semaphore, #tpu.memory_space<semaphore_mem>>) {add = true}
      %add3A_128 = arith.constant 4 : i32
      %add3A_129 = arith.addi %add3A_115, %add3A_128 : i32
      %sub3A_130 = arith.constant 5 : i32
      %sub3A_131 = arith.subi %add3A_129, %sub3A_130 : i32
      %ge3A_132 = arith.constant 0 : i32
      %ge3A_133 = arith.cmpi sge, %sub3A_131, %ge3A_132 : i32
      %convert_element_type3A_134 = arith.extui %ge3A_133 : i1 to i32
      %cond3A_135 = arith.constant 0 : i32
      %cond3A_136 = arith.cmpi ne, %convert_element_type3A_134, %cond3A_135 : i32
      scf.if %cond3A_136 {
        %dma_wait3A_198 = arith.constant 0 : i32
        %dma_wait3A_199 = arith.constant 0 : i32
        %dma_wait3A_200 = tpu.memref_slice %arg2[%dma_wait3A_198, %dma_wait3A_199] : memref<10000x16xf32, #tpu.memory_space<hbm>> -> memref<80x16xf32, #tpu.memory_space<hbm>>
        %dma_wait3A_201 = arith.constant 0 : i32
        %dma_wait3A_202 = arith.constant 0 : i32
        %dma_wait3A_203 = tpu.memref_slice %arg2[%dma_wait3A_201, %dma_wait3A_202] : memref<10000x16xf32, #tpu.memory_space<hbm>> -> memref<80x16xf32, #tpu.memory_space<hbm>>
        tpu.wait_dma2 semaphore(%arg21 : memref<!tpu.dma_semaphore, #tpu.memory_space<semaphore_mem>>) src(%dma_wait3A_203 : memref<80x16xf32, #tpu.memory_space<hbm>>) dst(%arg11 : memref<80x16xf32, #tpu.memory_space<vmem>>)
      } else {
      }
      %lt3A_137 = arith.constant 125 : i32
      %lt3A_138 = arith.cmpi slt, %add3A_129, %lt3A_137 : i32
      %convert_element_type3A_139 = arith.extui %lt3A_138 : i1 to i32
      %cond3A_140 = arith.constant 0 : i32
      %cond3A_141 = arith.cmpi ne, %convert_element_type3A_139, %cond3A_140 : i32
      scf.if %cond3A_141 {
        %dma_start3A_198 = arith.constant 0 : i32
        %dma_start3A_199 = tpu.memref_slice %arg8[%add3A_129, %dma_start3A_198] : memref<125x80xi32, #tpu.memory_space<vmem>> -> memref<1x80xi32, #tpu.memory_space<vmem>>
        %dma_start3A_200 = tpu.memref_squeeze %dma_start3A_199 : memref<1x80xi32, #tpu.memory_space<vmem>> -> memref<80xi32, #tpu.memory_space<vmem>>
        %dma_start3A_201 = arith.constant 0 : i32
        %dma_start3A_202 = arith.constant 0 : i32
        %dma_start3A_203 = tpu.memref_slice %arg2[%dma_start3A_201, %dma_start3A_202] : memref<10000x16xf32, #tpu.memory_space<hbm>> -> memref<10000x16xf32, #tpu.memory_space<hbm>>
        tpu.enqueue_indirect_dma source(%dma_start3A_203 : memref<10000x16xf32, #tpu.memory_space<hbm>>) target(%arg11 : memref<80x16xf32, #tpu.memory_space<vmem>>) offsets(%dma_start3A_200 : memref<80xi32, #tpu.memory_space<vmem>>) semaphore(%arg16 : memref<!tpu.dma_semaphore, #tpu.memory_space<semaphore_mem>>)
      } else {
      }
      %add3A_142 = arith.constant 3 : i32
      %add3A_143 = arith.addi %mul3A_59, %add3A_142 : i32
      %dma_wait3A_144 = arith.constant 0 : i32
      %dma_wait3A_145 = arith.constant 0 : i32
      %dma_wait3A_146 = tpu.memref_slice %arg2[%dma_wait3A_144, %dma_wait3A_145] : memref<10000x16xf32, #tpu.memory_space<hbm>> -> memref<80x16xf32, #tpu.memory_space<hbm>>
      %dma_wait3A_147 = arith.constant 0 : i32
      %dma_wait3A_148 = arith.constant 0 : i32
      %dma_wait3A_149 = tpu.memref_slice %arg2[%dma_wait3A_147, %dma_wait3A_148] : memref<10000x16xf32, #tpu.memory_space<hbm>> -> memref<80x16xf32, #tpu.memory_space<hbm>>
      tpu.wait_dma2 semaphore(%arg18 : memref<!tpu.dma_semaphore, #tpu.memory_space<semaphore_mem>>) src(%dma_wait3A_149 : memref<80x16xf32, #tpu.memory_space<hbm>>) dst(%arg13 : memref<80x16xf32, #tpu.memory_space<vmem>>)
      %dma_start3A_150 = arith.constant 0 : i32
      %dma_start3A_151 = tpu.memref_slice %arg9[%add3A_143, %dma_start3A_150] : memref<125x80xi32, #tpu.memory_space<vmem>> -> memref<1x80xi32, #tpu.memory_space<vmem>>
      %dma_start3A_152 = tpu.memref_squeeze %dma_start3A_151 : memref<1x80xi32, #tpu.memory_space<vmem>> -> memref<80xi32, #tpu.memory_space<vmem>>
      %dma_start3A_153 = arith.constant 0 : i32
      %dma_start3A_154 = arith.constant 0 : i32
      %dma_start3A_155 = tpu.memref_slice %arg7[%dma_start3A_153, %dma_start3A_154] : memref<10000x16xf32, #tpu.memory_space<vmem_shared>> -> memref<10000x16xf32, #tpu.memory_space<vmem_shared>>
      tpu.enqueue_indirect_dma source(%arg13 : memref<80x16xf32, #tpu.memory_space<vmem>>) target(%dma_start3A_155 : memref<10000x16xf32, #tpu.memory_space<vmem_shared>>) offsets(%dma_start3A_152 : memref<80xi32, #tpu.memory_space<vmem>>) semaphore(%arg23 : memref<!tpu.dma_semaphore, #tpu.memory_space<semaphore_mem>>) {add = true}
      %add3A_156 = arith.constant 4 : i32
      %add3A_157 = arith.addi %add3A_143, %add3A_156 : i32
      %sub3A_158 = arith.constant 5 : i32
      %sub3A_159 = arith.subi %add3A_157, %sub3A_158 : i32
      %ge3A_160 = arith.constant 0 : i32
      %ge3A_161 = arith.cmpi sge, %sub3A_159, %ge3A_160 : i32
      %convert_element_type3A_162 = arith.extui %ge3A_161 : i1 to i32
      %cond3A_163 = arith.constant 0 : i32
      %cond3A_164 = arith.cmpi ne, %convert_element_type3A_162, %cond3A_163 : i32
      scf.if %cond3A_164 {
        %dma_wait3A_198 = arith.constant 0 : i32
        %dma_wait3A_199 = arith.constant 0 : i32
        %dma_wait3A_200 = tpu.memref_slice %arg2[%dma_wait3A_198, %dma_wait3A_199] : memref<10000x16xf32, #tpu.memory_space<hbm>> -> memref<80x16xf32, #tpu.memory_space<hbm>>
        %dma_wait3A_201 = arith.constant 0 : i32
        %dma_wait3A_202 = arith.constant 0 : i32
        %dma_wait3A_203 = tpu.memref_slice %arg2[%dma_wait3A_201, %dma_wait3A_202] : memref<10000x16xf32, #tpu.memory_space<hbm>> -> memref<80x16xf32, #tpu.memory_space<hbm>>
        tpu.wait_dma2 semaphore(%arg22 : memref<!tpu.dma_semaphore, #tpu.memory_space<semaphore_mem>>) src(%dma_wait3A_203 : memref<80x16xf32, #tpu.memory_space<hbm>>) dst(%arg12 : memref<80x16xf32, #tpu.memory_space<vmem>>)
      } else {
      }
      %lt3A_165 = arith.constant 125 : i32
      %lt3A_166 = arith.cmpi slt, %add3A_157, %lt3A_165 : i32
      %convert_element_type3A_167 = arith.extui %lt3A_166 : i1 to i32
      %cond3A_168 = arith.constant 0 : i32
      %cond3A_169 = arith.cmpi ne, %convert_element_type3A_167, %cond3A_168 : i32
      scf.if %cond3A_169 {
        %dma_start3A_198 = arith.constant 0 : i32
        %dma_start3A_199 = tpu.memref_slice %arg8[%add3A_157, %dma_start3A_198] : memref<125x80xi32, #tpu.memory_space<vmem>> -> memref<1x80xi32, #tpu.memory_space<vmem>>
        %dma_start3A_200 = tpu.memref_squeeze %dma_start3A_199 : memref<1x80xi32, #tpu.memory_space<vmem>> -> memref<80xi32, #tpu.memory_space<vmem>>
        %dma_start3A_201 = arith.constant 0 : i32
        %dma_start3A_202 = arith.constant 0 : i32
        %dma_start3A_203 = tpu.memref_slice %arg2[%dma_start3A_201, %dma_start3A_202] : memref<10000x16xf32, #tpu.memory_space<hbm>> -> memref<10000x16xf32, #tpu.memory_space<hbm>>
        tpu.enqueue_indirect_dma source(%dma_start3A_203 : memref<10000x16xf32, #tpu.memory_space<hbm>>) target(%arg12 : memref<80x16xf32, #tpu.memory_space<vmem>>) offsets(%dma_start3A_200 : memref<80xi32, #tpu.memory_space<vmem>>) semaphore(%arg17 : memref<!tpu.dma_semaphore, #tpu.memory_space<semaphore_mem>>)
      } else {
      }
      %add3A_170 = arith.constant 4 : i32
      %add3A_171 = arith.addi %mul3A_59, %add3A_170 : i32
      %dma_wait3A_172 = arith.constant 0 : i32
      %dma_wait3A_173 = arith.constant 0 : i32
      %dma_wait3A_174 = tpu.memref_slice %arg2[%dma_wait3A_172, %dma_wait3A_173] : memref<10000x16xf32, #tpu.memory_space<hbm>> -> memref<80x16xf32, #tpu.memory_space<hbm>>
      %dma_wait3A_175 = arith.constant 0 : i32
      %dma_wait3A_176 = arith.constant 0 : i32
      %dma_wait3A_177 = tpu.memref_slice %arg2[%dma_wait3A_175, %dma_wait3A_176] : memref<10000x16xf32, #tpu.memory_space<hbm>> -> memref<80x16xf32, #tpu.memory_space<hbm>>
      tpu.wait_dma2 semaphore(%arg19 : memref<!tpu.dma_semaphore, #tpu.memory_space<semaphore_mem>>) src(%dma_wait3A_177 : memref<80x16xf32, #tpu.memory_space<hbm>>) dst(%arg14 : memref<80x16xf32, #tpu.memory_space<vmem>>)
      %dma_start3A_178 = arith.constant 0 : i32
      %dma_start3A_179 = tpu.memref_slice %arg9[%add3A_171, %dma_start3A_178] : memref<125x80xi32, #tpu.memory_space<vmem>> -> memref<1x80xi32, #tpu.memory_space<vmem>>
      %dma_start3A_180 = tpu.memref_squeeze %dma_start3A_179 : memref<1x80xi32, #tpu.memory_space<vmem>> -> memref<80xi32, #tpu.memory_space<vmem>>
      %dma_start3A_181 = arith.constant 0 : i32
      %dma_start3A_182 = arith.constant 0 : i32
      %dma_start3A_183 = tpu.memref_slice %arg7[%dma_start3A_181, %dma_start3A_182] : memref<10000x16xf32, #tpu.memory_space<vmem_shared>> -> memref<10000x16xf32, #tpu.memory_space<vmem_shared>>
      tpu.enqueue_indirect_dma source(%arg14 : memref<80x16xf32, #tpu.memory_space<vmem>>) target(%dma_start3A_183 : memref<10000x16xf32, #tpu.memory_space<vmem_shared>>) offsets(%dma_start3A_180 : memref<80xi32, #tpu.memory_space<vmem>>) semaphore(%arg24 : memref<!tpu.dma_semaphore, #tpu.memory_space<semaphore_mem>>) {add = true}
      %add3A_184 = arith.constant 4 : i32
      %add3A_185 = arith.addi %add3A_171, %add3A_184 : i32
      %sub3A_186 = arith.constant 5 : i32
      %sub3A_187 = arith.subi %add3A_185, %sub3A_186 : i32
      %ge3A_188 = arith.constant 0 : i32
      %ge3A_189 = arith.cmpi sge, %sub3A_187, %ge3A_188 : i32
      %convert_element_type3A_190 = arith.extui %ge3A_189 : i1 to i32
      %cond3A_191 = arith.constant 0 : i32
      %cond3A_192 = arith.cmpi ne, %convert_element_type3A_190, %cond3A_191 : i32
      scf.if %cond3A_192 {
        %dma_wait3A_198 = arith.constant 0 : i32
        %dma_wait3A_199 = arith.constant 0 : i32
        %dma_wait3A_200 = tpu.memref_slice %arg2[%dma_wait3A_198, %dma_wait3A_199] : memref<10000x16xf32, #tpu.memory_space<hbm>> -> memref<80x16xf32, #tpu.memory_space<hbm>>
        %dma_wait3A_201 = arith.constant 0 : i32
        %dma_wait3A_202 = arith.constant 0 : i32
        %dma_wait3A_203 = tpu.memref_slice %arg2[%dma_wait3A_201, %dma_wait3A_202] : memref<10000x16xf32, #tpu.memory_space<hbm>> -> memref<80x16xf32, #tpu.memory_space<hbm>>
        tpu.wait_dma2 semaphore(%arg23 : memref<!tpu.dma_semaphore, #tpu.memory_space<semaphore_mem>>) src(%dma_wait3A_203 : memref<80x16xf32, #tpu.memory_space<hbm>>) dst(%arg13 : memref<80x16xf32, #tpu.memory_space<vmem>>)
      } else {
      }
      %lt3A_193 = arith.constant 125 : i32
      %lt3A_194 = arith.cmpi slt, %add3A_185, %lt3A_193 : i32
      %convert_element_type3A_195 = arith.extui %lt3A_194 : i1 to i32
      %cond3A_196 = arith.constant 0 : i32
      %cond3A_197 = arith.cmpi ne, %convert_element_type3A_195, %cond3A_196 : i32
      scf.if %cond3A_197 {
        %dma_start3A_198 = arith.constant 0 : i32
        %dma_start3A_199 = tpu.memref_slice %arg8[%add3A_185, %dma_start3A_198] : memref<125x80xi32, #tpu.memory_space<vmem>> -> memref<1x80xi32, #tpu.memory_space<vmem>>
        %dma_start3A_200 = tpu.memref_squeeze %dma_start3A_199 : memref<1x80xi32, #tpu.memory_space<vmem>> -> memref<80xi32, #tpu.memory_space<vmem>>
        %dma_start3A_201 = arith.constant 0 : i32
        %dma_start3A_202 = arith.constant 0 : i32
        %dma_start3A_203 = tpu.memref_slice %arg2[%dma_start3A_201, %dma_start3A_202] : memref<10000x16xf32, #tpu.memory_space<hbm>> -> memref<10000x16xf32, #tpu.memory_space<hbm>>
        tpu.enqueue_indirect_dma source(%dma_start3A_203 : memref<10000x16xf32, #tpu.memory_space<hbm>>) target(%arg13 : memref<80x16xf32, #tpu.memory_space<vmem>>) offsets(%dma_start3A_200 : memref<80xi32, #tpu.memory_space<vmem>>) semaphore(%arg18 : memref<!tpu.dma_semaphore, #tpu.memory_space<semaphore_mem>>)
      } else {
      }
    }
    %scan3A_40 = arith.constant 25 : i32
    %dma_wait3A = arith.constant 0 : i32
    %dma_wait3A_41 = arith.constant 0 : i32
    %dma_wait3A_42 = tpu.memref_slice %arg2[%dma_wait3A, %dma_wait3A_41] : memref<10000x16xf32, #tpu.memory_space<hbm>> -> memref<80x16xf32, #tpu.memory_space<hbm>>
    %dma_wait3A_43 = arith.constant 0 : i32
    %dma_wait3A_44 = arith.constant 0 : i32
    %dma_wait3A_45 = tpu.memref_slice %arg2[%dma_wait3A_43, %dma_wait3A_44] : memref<10000x16xf32, #tpu.memory_space<hbm>> -> memref<80x16xf32, #tpu.memory_space<hbm>>
    tpu.wait_dma2 semaphore(%arg24 : memref<!tpu.dma_semaphore, #tpu.memory_space<semaphore_mem>>) src(%dma_wait3A_45 : memref<80x16xf32, #tpu.memory_space<hbm>>) dst(%arg14 : memref<80x16xf32, #tpu.memory_space<vmem>>)
    %barrier3A_46 = arith.constant 0 : index
    tpu.barrier barrier_id(%barrier3A_46)
    %lt3A_47 = arith.constant 15 : i32
    %lt3A_48 = arith.cmpi slt, %arg1, %lt3A_47 : i32
    %convert_element_type3A_49 = arith.extui %lt3A_48 : i1 to i32
    %cond3A_50 = arith.constant 0 : i32
    %cond3A_51 = arith.cmpi ne, %convert_element_type3A_49, %cond3A_50 : i32
    scf.if %cond3A_51 {
      "tpu.region"() ({
        %run_scoped3A = tpu.sem_alloc : memref<!tpu.dma_semaphore, #tpu.memory_space<semaphore_mem>>
        %dma_start3A_57 = arith.constant 0 : i32
        %dma_start3A_58 = tpu.memref_slice %arg6[%arg0, %mul3A_2, %dma_start3A_57] : memref<2x10000x16xf32, #tpu.memory_space<hbm>> -> memref<1x624x16xf32, #tpu.memory_space<hbm>>
        %dma_start3A_59 = tpu.memref_squeeze %dma_start3A_58 : memref<1x624x16xf32, #tpu.memory_space<hbm>> -> memref<624x16xf32, #tpu.memory_space<hbm>>
        %dma_start3A_60 = arith.constant 0 : i32
        %dma_start3A_61 = tpu.memref_slice %arg7[%mul3A_2, %dma_start3A_60] : memref<10000x16xf32, #tpu.memory_space<vmem_shared>> -> memref<624x16xf32, #tpu.memory_space<vmem_shared>>
        tpu.enqueue_dma source(%dma_start3A_61 : memref<624x16xf32, #tpu.memory_space<vmem_shared>>) target(%dma_start3A_59 : memref<624x16xf32, #tpu.memory_space<hbm>>) target_semaphore(%run_scoped3A : memref<!tpu.dma_semaphore, #tpu.memory_space<semaphore_mem>>)
        %dma_wait3A_62 = arith.constant 0 : i32
        %dma_wait3A_63 = tpu.memref_slice %arg6[%arg0, %mul3A_2, %dma_wait3A_62] : memref<2x10000x16xf32, #tpu.memory_space<hbm>> -> memref<1x624x16xf32, #tpu.memory_space<hbm>>
        %dma_wait3A_64 = tpu.memref_squeeze %dma_wait3A_63 : memref<1x624x16xf32, #tpu.memory_space<hbm>> -> memref<624x16xf32, #tpu.memory_space<hbm>>
        %dma_wait3A_65 = arith.constant 0 : i32
        %dma_wait3A_66 = tpu.memref_slice %arg7[%mul3A_2, %dma_wait3A_65] : memref<10000x16xf32, #tpu.memory_space<vmem_shared>> -> memref<624x16xf32, #tpu.memory_space<vmem_shared>>
        tpu.wait_dma2 semaphore(%run_scoped3A : memref<!tpu.dma_semaphore, #tpu.memory_space<semaphore_mem>>) src(%dma_wait3A_66 : memref<624x16xf32, #tpu.memory_space<vmem_shared>>) dst(%dma_wait3A_64 : memref<624x16xf32, #tpu.memory_space<hbm>>)
        tpu.yield
      }) : () -> ()
    } else {
    }
    %eq3A_52 = arith.constant 15 : i32
    %eq3A_53 = arith.cmpi eq, %arg1, %eq3A_52 : i32
    %convert_element_type3A_54 = arith.extui %eq3A_53 : i1 to i32
    %cond3A_55 = arith.constant 0 : i32
    %cond3A_56 = arith.cmpi ne, %convert_element_type3A_54, %cond3A_55 : i32
    scf.if %cond3A_56 {
      "tpu.region"() ({
        %run_scoped3A = tpu.sem_alloc : memref<!tpu.dma_semaphore, #tpu.memory_space<semaphore_mem>>
        %dma_start3A_57 = arith.constant 0 : i32
        %dma_start3A_58 = tpu.memref_slice %arg6[%arg0, %mul3A_2, %dma_start3A_57] : memref<2x10000x16xf32, #tpu.memory_space<hbm>> -> memref<1x640x16xf32, #tpu.memory_space<hbm>>
        %dma_start3A_59 = tpu.memref_squeeze %dma_start3A_58 : memref<1x640x16xf32, #tpu.memory_space<hbm>> -> memref<640x16xf32, #tpu.memory_space<hbm>>
        %dma_start3A_60 = arith.constant 0 : i32
        %dma_start3A_61 = tpu.memref_slice %arg7[%mul3A_2, %dma_start3A_60] : memref<10000x16xf32, #tpu.memory_space<vmem_shared>> -> memref<640x16xf32, #tpu.memory_space<vmem_shared>>
        tpu.enqueue_dma source(%dma_start3A_61 : memref<640x16xf32, #tpu.memory_space<vmem_shared>>) target(%dma_start3A_59 : memref<640x16xf32, #tpu.memory_space<hbm>>) target_semaphore(%run_scoped3A : memref<!tpu.dma_semaphore, #tpu.memory_space<semaphore_mem>>)
        %dma_wait3A_62 = arith.constant 0 : i32
        %dma_wait3A_63 = tpu.memref_slice %arg6[%arg0, %mul3A_2, %dma_wait3A_62] : memref<2x10000x16xf32, #tpu.memory_space<hbm>> -> memref<1x640x16xf32, #tpu.memory_space<hbm>>
        %dma_wait3A_64 = tpu.memref_squeeze %dma_wait3A_63 : memref<1x640x16xf32, #tpu.memory_space<hbm>> -> memref<640x16xf32, #tpu.memory_space<hbm>>
        %dma_wait3A_65 = arith.constant 0 : i32
        %dma_wait3A_66 = tpu.memref_slice %arg7[%mul3A_2, %dma_wait3A_65] : memref<10000x16xf32, #tpu.memory_space<vmem_shared>> -> memref<640x16xf32, #tpu.memory_space<vmem_shared>>
        tpu.wait_dma2 semaphore(%run_scoped3A : memref<!tpu.dma_semaphore, #tpu.memory_space<semaphore_mem>>) src(%dma_wait3A_66 : memref<640x16xf32, #tpu.memory_space<vmem_shared>>) dst(%dma_wait3A_64 : memref<640x16xf32, #tpu.memory_space<hbm>>)
        tpu.yield
      }) : () -> ()
    } else {
    }
    return
  }
}

module attributes {stable_mosaic.version = 14 : i64} {
  func.func @_t1_body(%arg0: i32, %arg1: memref<2000x128xf32, #tpu.memory_space<vmem>>, %arg2: memref<2000x128xf32, #tpu.memory_space<vmem>>) attributes {dimension_semantics = [#tpu.dimension_semantics<arbitrary>], iteration_bounds = array<i64: 5>, scalar_prefetch = 0 : i64, scratch_operands = 0 : i64, tpu.core_type = #tpu.core_type<tc>, window_params = [{transform_indices = @transform_0, window_bounds = array<i64: 2000, 128>}, {transform_indices = @transform_1, window_bounds = array<i64: 2000, 128>}]} {
    %get3A = arith.constant 0 : index
    %get3A_0 = arith.constant 0 : index
    %get3A_1 = vector.load %arg1[%get3A, %get3A_0] : memref<2000x128xf32, #tpu.memory_space<vmem>>, vector<2000x128xf32>
    %mul3A = arith.mulf %get3A_1, %get3A_1 : vector<2000x128xf32>
    %reduce_sum3A = arith.constant dense<0.000000e+00> : vector<2000xf32>
    %reduce_sum3A_2 = vector.multi_reduction <add>, %mul3A, %reduce_sum3A [1] : vector<2000x128xf32> to vector<2000xf32>
    %broadcast_in_dim3A = vector.shape_cast %reduce_sum3A_2 : vector<2000xf32> to vector<2000x1xf32>
    %sqrt3A = math.sqrt %broadcast_in_dim3A : vector<2000x1xf32>
    %add3A = arith.constant 9.99999993E-9 : f32
    %add3A_3 = vector.broadcast %add3A : f32 to vector<2000x1xf32>
    %add3A_4 = arith.addf %sqrt3A, %add3A_3 : vector<2000x1xf32>
    %div3A = vector.broadcast %add3A_4 : vector<2000x1xf32> to vector<2000x128xf32>
    %div3A_5 = arith.divf %get3A_1, %div3A : vector<2000x128xf32>
    %swap3A = arith.constant 0 : index
    %swap3A_6 = arith.constant 0 : index
    %swap3A_7 = vector.load %arg2[%swap3A, %swap3A_6] : memref<2000x128xf32, #tpu.memory_space<vmem>>, vector<2000x128xf32>
    tpu.vector_store %arg2[%swap3A, %swap3A_6], %div3A_5 {strides = array<i32>} : memref<2000x128xf32, #tpu.memory_space<vmem>>, vector<2000x128xf32>,
    return
  }
  func.func @transform_0(%arg0: i32) -> (i32, i32) {
    %c0_i32 = arith.constant 0 : i32
    %c0_i32_0 = arith.constant 0 : i32
    return %arg0, %c0_i32 : i32, i32
  }
  func.func @transform_1(%arg0: i32) -> (i32, i32) {
    %c0_i32 = arith.constant 0 : i32
    %c0_i32_0 = arith.constant 0 : i32
    return %arg0, %c0_i32 : i32, i32
  }
}

module attributes {stable_mosaic.version = 14 : i64} {
  func.func @_t2_body(%arg0: i32, %arg1: memref<2000x128xf32, #tpu.memory_space<vmem>>, %arg2: memref<1x2000x128xf32, #tpu.memory_space<vmem>>, %arg3: memref<1x2000x128xf32, #tpu.memory_space<vmem>>, %arg4: memref<1x2000x16xbf16, #tpu.memory_space<vmem>>, %arg5: memref<1x2000x16xbf16, #tpu.memory_space<vmem>>, %arg6: memref<128x128xf32, #tpu.memory_space<vmem>>, %arg7: memref<128x128xf32, #tpu.memory_space<vmem>>, %arg8: memref<1x128xf32, #tpu.memory_space<vmem>>, %arg9: memref<128x16xf32, #tpu.memory_space<vmem>>, %arg10: memref<128x16xf32, #tpu.memory_space<vmem>>, %arg11: memref<2000x16xf32, #tpu.memory_space<vmem>>, %arg12: memref<2000x16xf32, #tpu.memory_space<vmem>>) attributes {dimension_semantics = [#tpu.dimension_semantics<arbitrary>], iteration_bounds = array<i64: 5>, scalar_prefetch = 0 : i64, scratch_operands = 0 : i64, tpu.core_type = #tpu.core_type<tc>, window_params = [{transform_indices = @transform_0, window_bounds = array<i64: 2000, 128>}, {transform_indices = @transform_1, window_bounds = array<i64: 1, 2000, 128>}, {transform_indices = @transform_2, window_bounds = array<i64: 1, 2000, 128>}, {transform_indices = @transform_3, window_bounds = array<i64: 1, 2000, 16>}, {transform_indices = @transform_4, window_bounds = array<i64: 1, 2000, 16>}, {pipeline_mode = #tpu.pipeline_mode<synchronous>, transform_indices = @transform_5, window_bounds = array<i64: 128, 128>}, {pipeline_mode = #tpu.pipeline_mode<synchronous>, transform_indices = @transform_6, window_bounds = array<i64: 128, 128>}, {pipeline_mode = #tpu.pipeline_mode<synchronous>, transform_indices = @transform_7, window_bounds = array<i64: 1, 128>}, {pipeline_mode = #tpu.pipeline_mode<synchronous>, transform_indices = @transform_8, window_bounds = array<i64: 128, 16>}, {pipeline_mode = #tpu.pipeline_mode<synchronous>, transform_indices = @transform_9, window_bounds = array<i64: 128, 16>}, {transform_indices = @transform_10, window_bounds = array<i64: 2000, 16>}, {transform_indices = @transform_11, window_bounds = array<i64: 2000, 16>}]} {
    %get3A = arith.constant 0 : index
    %get3A_0 = arith.constant 0 : index
    %get3A_1 = vector.load %arg1[%get3A, %get3A_0] : memref<2000x128xf32, #tpu.memory_space<vmem>>, vector<2000x128xf32>
    %get3A_2 = arith.constant 0 : index
    %get3A_3 = arith.constant 0 : index
    %get3A_4 = arith.constant 0 : index
    %get3A_5 = vector.load %arg4[%get3A_2, %get3A_3, %get3A_4] : memref<1x2000x16xbf16, #tpu.memory_space<vmem>>, vector<1x2000x16xbf16>
    %get3A_6 = vector.shape_cast %get3A_5 : vector<1x2000x16xbf16> to vector<2000x16xbf16>
    %convert_element_type3A = arith.extf %get3A_6 : vector<2000x16xbf16> to vector<2000x16xf32>
    %get3A_7 = arith.constant 0 : index
    %get3A_8 = arith.constant 0 : index
    %get3A_9 = arith.constant 0 : index
    %get3A_10 = vector.load %arg5[%get3A_7, %get3A_8, %get3A_9] : memref<1x2000x16xbf16, #tpu.memory_space<vmem>>, vector<1x2000x16xbf16>
    %get3A_11 = vector.shape_cast %get3A_10 : vector<1x2000x16xbf16> to vector<2000x16xbf16>
    %convert_element_type3A_12 = arith.extf %get3A_11 : vector<2000x16xbf16> to vector<2000x16xf32>
    %add3A = arith.addf %convert_element_type3A, %convert_element_type3A_12 : vector<2000x16xf32>
    %slice3A = vector.extract_strided_slice %add3A {offsets = [0, 0], sizes = [2000, 1], strides = [1, 1]} : vector<2000x16xf32> to vector<2000x1xf32>
    %get3A_13 = arith.constant 0 : index
    %get3A_14 = arith.constant 0 : index
    %get3A_15 = arith.constant 0 : index
    %get3A_16 = vector.load %arg2[%get3A_13, %get3A_14, %get3A_15] : memref<1x2000x128xf32, #tpu.memory_space<vmem>>, vector<1x2000x128xf32>
    %get3A_17 = vector.shape_cast %get3A_16 : vector<1x2000x128xf32> to vector<2000x128xf32>
    %get3A_18 = arith.constant 0 : index
    %get3A_19 = arith.constant 0 : index
    %get3A_20 = arith.constant 0 : index
    %get3A_21 = vector.load %arg3[%get3A_18, %get3A_19, %get3A_20] : memref<1x2000x128xf32, #tpu.memory_space<vmem>>, vector<1x2000x128xf32>
    %get3A_22 = vector.shape_cast %get3A_21 : vector<1x2000x128xf32> to vector<2000x128xf32>
    %add3A_23 = arith.addf %get3A_17, %get3A_22 : vector<2000x128xf32>
    %max3A = arith.constant 1.000000e+00 : f32
    %max3A_24 = vector.broadcast %max3A : f32 to vector<2000x1xf32>
    %max3A_25 = arith.maximumf %slice3A, %max3A_24 : vector<2000x1xf32>
    %div3A = vector.broadcast %max3A_25 : vector<2000x1xf32> to vector<2000x128xf32>
    %div3A_26 = arith.divf %add3A_23, %div3A : vector<2000x128xf32>
    %get3A_27 = arith.constant 0 : index
    %get3A_28 = arith.constant 0 : index
    %get3A_29 = vector.load %arg6[%get3A_27, %get3A_28] : memref<128x128xf32, #tpu.memory_space<vmem>>, vector<128x128xf32>
    %dot_general3A = arith.constant dense<0.000000e+00> : vector<2000x128xf32>
    %dot_general3A_30 = tpu.matmul %get3A_1, %get3A_29, %dot_general3A {dimension_numbers = #tpu.dot_dimension_numbers<[1], [0], [0], [1], [0, 0, 1, 1], [], []>, transpose_lhs_hint = false} : vector<2000x128xf32>, vector<128x128xf32>, vector<2000x128xf32> -> vector<2000x128xf32>
    %get3A_31 = arith.constant 0 : index
    %get3A_32 = arith.constant 0 : index
    %get3A_33 = vector.load %arg7[%get3A_31, %get3A_32] : memref<128x128xf32, #tpu.memory_space<vmem>>, vector<128x128xf32>
    %dot_general3A_34 = arith.constant dense<0.000000e+00> : vector<2000x128xf32>
    %dot_general3A_35 = tpu.matmul %div3A_26, %get3A_33, %dot_general3A_34 {dimension_numbers = #tpu.dot_dimension_numbers<[1], [0], [0], [1], [0, 0, 1, 1], [], []>, transpose_lhs_hint = false} : vector<2000x128xf32>, vector<128x128xf32>, vector<2000x128xf32> -> vector<2000x128xf32>
    %add3A_36 = arith.addf %dot_general3A_30, %dot_general3A_35 : vector<2000x128xf32>
    %get3A_37 = arith.constant 0 : index
    %get3A_38 = arith.constant 0 : index
    %get3A_39 = vector.load %arg8[%get3A_37, %get3A_38] : memref<1x128xf32, #tpu.memory_space<vmem>>, vector<1x128xf32>
    %add3A_40 = vector.broadcast %get3A_39 : vector<1x128xf32> to vector<2000x128xf32>
    %add3A_41 = arith.addf %add3A_36, %add3A_40 : vector<2000x128xf32>
    %mul3A = arith.mulf %add3A_41, %add3A_41 : vector<2000x128xf32>
    %reduce_sum3A = arith.constant dense<0.000000e+00> : vector<2000xf32>
    %reduce_sum3A_42 = vector.multi_reduction <add>, %mul3A, %reduce_sum3A [1] : vector<2000x128xf32> to vector<2000xf32>
    %broadcast_in_dim3A = vector.shape_cast %reduce_sum3A_42 : vector<2000xf32> to vector<2000x1xf32>
    %sqrt3A = math.sqrt %broadcast_in_dim3A : vector<2000x1xf32>
    %add3A_43 = arith.constant 9.99999993E-9 : f32
    %add3A_44 = vector.broadcast %add3A_43 : f32 to vector<2000x1xf32>
    %add3A_45 = arith.addf %sqrt3A, %add3A_44 : vector<2000x1xf32>
    %div3A_46 = vector.broadcast %add3A_45 : vector<2000x1xf32> to vector<2000x128xf32>
    %div3A_47 = arith.divf %add3A_41, %div3A_46 : vector<2000x128xf32>
    %max3A_48 = arith.constant 0.000000e+00 : f32
    %max3A_49 = vector.broadcast %max3A_48 : f32 to vector<2000x128xf32>
    %max3A_50 = arith.maximumf %div3A_47, %max3A_49 : vector<2000x128xf32>
    %get3A_51 = arith.constant 0 : index
    %get3A_52 = arith.constant 0 : index
    %get3A_53 = vector.load %arg9[%get3A_51, %get3A_52] : memref<128x16xf32, #tpu.memory_space<vmem>>, vector<128x16xf32>
    %dot_general3A_54 = arith.constant dense<0.000000e+00> : vector<2000x16xf32>
    %dot_general3A_55 = tpu.matmul %max3A_50, %get3A_53, %dot_general3A_54 {dimension_numbers = #tpu.dot_dimension_numbers<[1], [0], [0], [1], [0, 0, 1, 1], [], []>, transpose_lhs_hint = false} : vector<2000x128xf32>, vector<128x16xf32>, vector<2000x16xf32> -> vector<2000x16xf32>
    %swap3A = arith.constant 0 : index
    %swap3A_56 = arith.constant 0 : index
    %swap3A_57 = vector.load %arg11[%swap3A, %swap3A_56] : memref<2000x16xf32, #tpu.memory_space<vmem>>, vector<2000x16xf32>
    tpu.vector_store %arg11[%swap3A, %swap3A_56], %dot_general3A_55 {strides = array<i32>} : memref<2000x16xf32, #tpu.memory_space<vmem>>, vector<2000x16xf32>,
    %get3A_58 = arith.constant 0 : index
    %get3A_59 = arith.constant 0 : index
    %get3A_60 = vector.load %arg10[%get3A_58, %get3A_59] : memref<128x16xf32, #tpu.memory_space<vmem>>, vector<128x16xf32>
    %dot_general3A_61 = arith.constant dense<0.000000e+00> : vector<2000x16xf32>
    %dot_general3A_62 = tpu.matmul %max3A_50, %get3A_60, %dot_general3A_61 {dimension_numbers = #tpu.dot_dimension_numbers<[1], [0], [0], [1], [0, 0, 1, 1], [], []>, transpose_lhs_hint = false} : vector<2000x128xf32>, vector<128x16xf32>, vector<2000x16xf32> -> vector<2000x16xf32>
    %swap3A_63 = arith.constant 0 : index
    %swap3A_64 = arith.constant 0 : index
    %swap3A_65 = vector.load %arg12[%swap3A_63, %swap3A_64] : memref<2000x16xf32, #tpu.memory_space<vmem>>, vector<2000x16xf32>
    tpu.vector_store %arg12[%swap3A_63, %swap3A_64], %dot_general3A_62 {strides = array<i32>} : memref<2000x16xf32, #tpu.memory_space<vmem>>, vector<2000x16xf32>,
    return
  }
  func.func @transform_0(%arg0: i32) -> (i32, i32) {
    %c0_i32 = arith.constant 0 : i32
    %c0_i32_0 = arith.constant 0 : i32
    return %arg0, %c0_i32 : i32, i32
  }
  func.func @transform_1(%arg0: i32) -> (i32, i32, i32) {
    %c0_i32 = arith.constant 0 : i32
    %c0_i32_0 = arith.constant 0 : i32
    %c0_i32_1 = arith.constant 0 : i32
    return %c0_i32, %arg0, %c0_i32_0 : i32, i32, i32
  }
  func.func @transform_2(%arg0: i32) -> (i32, i32, i32) {
    %c1_i32 = arith.constant 1 : i32
    %c0_i32 = arith.constant 0 : i32
    %c0_i32_0 = arith.constant 0 : i32
    return %c1_i32, %arg0, %c0_i32 : i32, i32, i32
  }
  func.func @transform_3(%arg0: i32) -> (i32, i32, i32) {
    %c0_i32 = arith.constant 0 : i32
    %c0_i32_0 = arith.constant 0 : i32
    %c0_i32_1 = arith.constant 0 : i32
    return %c0_i32, %arg0, %c0_i32_0 : i32, i32, i32
  }
  func.func @transform_4(%arg0: i32) -> (i32, i32, i32) {
    %c1_i32 = arith.constant 1 : i32
    %c0_i32 = arith.constant 0 : i32
    %c0_i32_0 = arith.constant 0 : i32
    return %c1_i32, %arg0, %c0_i32 : i32, i32, i32
  }
  func.func @transform_5(%arg0: i32) -> (i32, i32) {
    %c0_i32 = arith.constant 0 : i32
    %c0_i32_0 = arith.constant 0 : i32
    %c0_i32_1 = arith.constant 0 : i32
    return %c0_i32, %c0_i32_0 : i32, i32
  }
  func.func @transform_6(%arg0: i32) -> (i32, i32) {
    %c0_i32 = arith.constant 0 : i32
    %c0_i32_0 = arith.constant 0 : i32
    %c0_i32_1 = arith.constant 0 : i32
    return %c0_i32, %c0_i32_0 : i32, i32
  }
  func.func @transform_7(%arg0: i32) -> (i32, i32) {
    %c0_i32 = arith.constant 0 : i32
    %c0_i32_0 = arith.constant 0 : i32
    %c0_i32_1 = arith.constant 0 : i32
    return %c0_i32, %c0_i32_0 : i32, i32
  }
  func.func @transform_8(%arg0: i32) -> (i32, i32) {
    %c0_i32 = arith.constant 0 : i32
    %c0_i32_0 = arith.constant 0 : i32
    %c0_i32_1 = arith.constant 0 : i32
    return %c0_i32, %c0_i32_0 : i32, i32
  }
  func.func @transform_9(%arg0: i32) -> (i32, i32) {
    %c0_i32 = arith.constant 0 : i32
    %c0_i32_0 = arith.constant 0 : i32
    %c0_i32_1 = arith.constant 0 : i32
    return %c0_i32, %c0_i32_0 : i32, i32
  }
  func.func @transform_10(%arg0: i32) -> (i32, i32) {
    %c0_i32 = arith.constant 0 : i32
    %c0_i32_0 = arith.constant 0 : i32
    return %arg0, %c0_i32 : i32, i32
  }
  func.func @transform_11(%arg0: i32) -> (i32, i32) {
    %c0_i32 = arith.constant 0 : i32
    %c0_i32_0 = arith.constant 0 : i32
    return %arg0, %c0_i32 : i32, i32
  }
}

module attributes {stable_mosaic.version = 14 : i64} {
  func.func @_t3_body(%arg0: i32, %arg1: memref<2000x16xf32, #tpu.memory_space<vmem>>, %arg2: memref<1x2000x16xf32, #tpu.memory_space<vmem>>, %arg3: memref<1x2000x16xf32, #tpu.memory_space<vmem>>, %arg4: memref<1x2000x16xbf16, #tpu.memory_space<vmem>>, %arg5: memref<1x2000x16xbf16, #tpu.memory_space<vmem>>, %arg6: memref<1x16xf32, #tpu.memory_space<vmem>>, %arg7: memref<2000x10xf32, #tpu.memory_space<vmem>>) attributes {dimension_semantics = [#tpu.dimension_semantics<arbitrary>], iteration_bounds = array<i64: 5>, scalar_prefetch = 0 : i64, scratch_operands = 0 : i64, tpu.core_type = #tpu.core_type<tc>, window_params = [{transform_indices = @transform_0, window_bounds = array<i64: 2000, 16>}, {transform_indices = @transform_1, window_bounds = array<i64: 1, 2000, 16>}, {transform_indices = @transform_2, window_bounds = array<i64: 1, 2000, 16>}, {transform_indices = @transform_3, window_bounds = array<i64: 1, 2000, 16>}, {transform_indices = @transform_4, window_bounds = array<i64: 1, 2000, 16>}, {pipeline_mode = #tpu.pipeline_mode<synchronous>, transform_indices = @transform_5, window_bounds = array<i64: 1, 16>}, {transform_indices = @transform_6, window_bounds = array<i64: 2000, 10>}]} {
    %get3A = arith.constant 0 : index
    %get3A_0 = arith.constant 0 : index
    %get3A_1 = arith.constant 0 : index
    %get3A_2 = vector.load %arg4[%get3A, %get3A_0, %get3A_1] : memref<1x2000x16xbf16, #tpu.memory_space<vmem>>, vector<1x2000x16xbf16>
    %get3A_3 = vector.shape_cast %get3A_2 : vector<1x2000x16xbf16> to vector<2000x16xbf16>
    %convert_element_type3A = arith.extf %get3A_3 : vector<2000x16xbf16> to vector<2000x16xf32>
    %get3A_4 = arith.constant 0 : index
    %get3A_5 = arith.constant 0 : index
    %get3A_6 = arith.constant 0 : index
    %get3A_7 = vector.load %arg5[%get3A_4, %get3A_5, %get3A_6] : memref<1x2000x16xbf16, #tpu.memory_space<vmem>>, vector<1x2000x16xbf16>
    %get3A_8 = vector.shape_cast %get3A_7 : vector<1x2000x16xbf16> to vector<2000x16xbf16>
    %convert_element_type3A_9 = arith.extf %get3A_8 : vector<2000x16xbf16> to vector<2000x16xf32>
    %add3A = arith.addf %convert_element_type3A, %convert_element_type3A_9 : vector<2000x16xf32>
    %slice3A = vector.extract_strided_slice %add3A {offsets = [0, 0], sizes = [2000, 1], strides = [1, 1]} : vector<2000x16xf32> to vector<2000x1xf32>
    %get3A_10 = arith.constant 0 : index
    %get3A_11 = arith.constant 0 : index
    %get3A_12 = arith.constant 0 : index
    %get3A_13 = vector.load %arg2[%get3A_10, %get3A_11, %get3A_12] : memref<1x2000x16xf32, #tpu.memory_space<vmem>>, vector<1x2000x16xf32>
    %get3A_14 = vector.shape_cast %get3A_13 : vector<1x2000x16xf32> to vector<2000x16xf32>
    %get3A_15 = arith.constant 0 : index
    %get3A_16 = arith.constant 0 : index
    %get3A_17 = arith.constant 0 : index
    %get3A_18 = vector.load %arg3[%get3A_15, %get3A_16, %get3A_17] : memref<1x2000x16xf32, #tpu.memory_space<vmem>>, vector<1x2000x16xf32>
    %get3A_19 = vector.shape_cast %get3A_18 : vector<1x2000x16xf32> to vector<2000x16xf32>
    %add3A_20 = arith.addf %get3A_14, %get3A_19 : vector<2000x16xf32>
    %max3A = arith.constant 1.000000e+00 : f32
    %max3A_21 = vector.broadcast %max3A : f32 to vector<2000x1xf32>
    %max3A_22 = arith.maximumf %slice3A, %max3A_21 : vector<2000x1xf32>
    %div3A = vector.broadcast %max3A_22 : vector<2000x1xf32> to vector<2000x16xf32>
    %div3A_23 = arith.divf %add3A_20, %div3A : vector<2000x16xf32>
    %get3A_24 = arith.constant 0 : index
    %get3A_25 = arith.constant 0 : index
    %get3A_26 = vector.load %arg1[%get3A_24, %get3A_25] : memref<2000x16xf32, #tpu.memory_space<vmem>>, vector<2000x16xf32>
    %add3A_27 = arith.addf %get3A_26, %div3A_23 : vector<2000x16xf32>
    %get3A_28 = arith.constant 0 : index
    %get3A_29 = arith.constant 0 : index
    %get3A_30 = vector.load %arg6[%get3A_28, %get3A_29] : memref<1x16xf32, #tpu.memory_space<vmem>>, vector<1x16xf32>
    %add3A_31 = vector.broadcast %get3A_30 : vector<1x16xf32> to vector<2000x16xf32>
    %add3A_32 = arith.addf %add3A_27, %add3A_31 : vector<2000x16xf32>
    %mul3A = arith.mulf %add3A_32, %add3A_32 : vector<2000x16xf32>
    %reduce_sum3A = arith.constant dense<0.000000e+00> : vector<2000xf32>
    %reduce_sum3A_33 = vector.multi_reduction <add>, %mul3A, %reduce_sum3A [1] : vector<2000x16xf32> to vector<2000xf32>
    %broadcast_in_dim3A = vector.shape_cast %reduce_sum3A_33 : vector<2000xf32> to vector<2000x1xf32>
    %sqrt3A = math.sqrt %broadcast_in_dim3A : vector<2000x1xf32>
    %add3A_34 = arith.constant 9.99999993E-9 : f32
    %add3A_35 = vector.broadcast %add3A_34 : f32 to vector<2000x1xf32>
    %add3A_36 = arith.addf %sqrt3A, %add3A_35 : vector<2000x1xf32>
    %div3A_37 = vector.broadcast %add3A_36 : vector<2000x1xf32> to vector<2000x16xf32>
    %div3A_38 = arith.divf %add3A_32, %div3A_37 : vector<2000x16xf32>
    %iota3A = tpu.iota {dimensions = array<i32: 1>} : vector<2000x16xi32>
    %lt3A = arith.constant 10 : i32
    %lt3A_39 = vector.broadcast %lt3A : i32 to vector<2000x16xi32>
    %lt3A_40 = arith.cmpi slt, %iota3A, %lt3A_39 : vector<2000x16xi32>
    %jit3A = arith.constant 0xFF800000 : f32
    %broadcast_in_dim3A_41 = vector.broadcast %jit3A : f32 to vector<2000x16xf32>
    %select_n3A = arith.select %lt3A_40, %div3A_38, %broadcast_in_dim3A_41 : vector<2000x16xi1>, vector<2000x16xf32>
    %reduce_max3A = arith.constant dense<0xFF800000> : vector<2000xf32>
    %reduce_max3A_42 = vector.multi_reduction <maximumf>, %select_n3A, %reduce_max3A [1] : vector<2000x16xf32> to vector<2000xf32>
    %broadcast_in_dim3A_43 = vector.shape_cast %reduce_max3A_42 : vector<2000xf32> to vector<2000x1xf32>
    %sub3A = vector.broadcast %broadcast_in_dim3A_43 : vector<2000x1xf32> to vector<2000x16xf32>
    %sub3A_44 = arith.subf %select_n3A, %sub3A : vector<2000x16xf32>
    %exp3A = math.exp %sub3A_44 : vector<2000x16xf32>
    %jit3A_45 = arith.constant 0.000000e+00 : f32
    %broadcast_in_dim3A_46 = vector.broadcast %jit3A_45 : f32 to vector<2000x16xf32>
    %select_n3A_47 = arith.select %lt3A_40, %exp3A, %broadcast_in_dim3A_46 : vector<2000x16xi1>, vector<2000x16xf32>
    %reduce_sum3A_48 = arith.constant dense<0.000000e+00> : vector<2000xf32>
    %reduce_sum3A_49 = vector.multi_reduction <add>, %select_n3A_47, %reduce_sum3A_48 [1] : vector<2000x16xf32> to vector<2000xf32>
    %broadcast_in_dim3A_50 = vector.shape_cast %reduce_sum3A_49 : vector<2000xf32> to vector<2000x1xf32>
    %log3A = math.log %broadcast_in_dim3A_50 : vector<2000x1xf32>
    %sub3A_51 = vector.broadcast %broadcast_in_dim3A_43 : vector<2000x1xf32> to vector<2000x16xf32>
    %sub3A_52 = arith.subf %select_n3A, %sub3A_51 : vector<2000x16xf32>
    %sub3A_53 = vector.broadcast %log3A : vector<2000x1xf32> to vector<2000x16xf32>
    %sub3A_54 = arith.subf %sub3A_52, %sub3A_53 : vector<2000x16xf32>
    %slice3A_55 = vector.extract_strided_slice %sub3A_54 {offsets = [0, 0], sizes = [2000, 10], strides = [1, 1]} : vector<2000x16xf32> to vector<2000x10xf32>
    %swap3A = arith.constant 0 : index
    %swap3A_56 = arith.constant 0 : index
    %swap3A_57 = vector.load %arg7[%swap3A, %swap3A_56] : memref<2000x10xf32, #tpu.memory_space<vmem>>, vector<2000x10xf32>
    tpu.vector_store %arg7[%swap3A, %swap3A_56], %slice3A_55 {strides = array<i32>} : memref<2000x10xf32, #tpu.memory_space<vmem>>, vector<2000x10xf32>,
    return
  }
  func.func @transform_0(%arg0: i32) -> (i32, i32) {
    %c0_i32 = arith.constant 0 : i32
    %c0_i32_0 = arith.constant 0 : i32
    return %arg0, %c0_i32 : i32, i32
  }
  func.func @transform_1(%arg0: i32) -> (i32, i32, i32) {
    %c0_i32 = arith.constant 0 : i32
    %c0_i32_0 = arith.constant 0 : i32
    %c0_i32_1 = arith.constant 0 : i32
    return %c0_i32, %arg0, %c0_i32_0 : i32, i32, i32
  }
  func.func @transform_2(%arg0: i32) -> (i32, i32, i32) {
    %c1_i32 = arith.constant 1 : i32
    %c0_i32 = arith.constant 0 : i32
    %c0_i32_0 = arith.constant 0 : i32
    return %c1_i32, %arg0, %c0_i32 : i32, i32, i32
  }
  func.func @transform_3(%arg0: i32) -> (i32, i32, i32) {
    %c0_i32 = arith.constant 0 : i32
    %c0_i32_0 = arith.constant 0 : i32
    %c0_i32_1 = arith.constant 0 : i32
    return %c0_i32, %arg0, %c0_i32_0 : i32, i32, i32
  }
  func.func @transform_4(%arg0: i32) -> (i32, i32, i32) {
    %c1_i32 = arith.constant 1 : i32
    %c0_i32 = arith.constant 0 : i32
    %c0_i32_0 = arith.constant 0 : i32
    return %c1_i32, %arg0, %c0_i32 : i32, i32, i32
  }
  func.func @transform_5(%arg0: i32) -> (i32, i32) {
    %c0_i32 = arith.constant 0 : i32
    %c0_i32_0 = arith.constant 0 : i32
    %c0_i32_1 = arith.constant 0 : i32
    return %c0_i32, %c0_i32_0 : i32, i32
  }
  func.func @transform_6(%arg0: i32) -> (i32, i32) {
    %c0_i32 = arith.constant 0 : i32
    %c0_i32_0 = arith.constant 0 : i32
    return %arg0, %c0_i32 : i32, i32
  }
}

</mosaic_0001>

<sc_bundles>
// kernel: sc_agg1.3.cloned.1.call-start
scs
__scs_entry_jumppad:
0x0: {  	(pc) =	sbr.rel $0x88, $3  }
0x1: {  	(tag) =	ssettag $0x0;
	lr =	simm.s32 $0x1  }
0x2: {  	[smem:$0x3F99] =	sst lr;
	_ =	strace $0xD0000000  }
0x3: {  	_ = 	snop  }
0x4: {  	_ = 	snop  }
0x5: {  	_ = 	snop  }
0x6: {  	_ = 	snop  }
0x7: {  	_ = 	snop  }
__scs_overlays_trampoline_lowered:
0x8: {  	[smem:$0x3FA8] =	sst s0  }
0x9: {  	[smem:$0x3FA9] =	sst s1  }
0xa: {  	[smem:$0x3FAA] =	sst s2  }
0xb: {  	[smem:$0x3FAB] =	sst s3  }
0xc: {  	[smem:$0x3FAC] =	sst s4  }
0xd: {  	[smem:$0x3FAD] =	sst s5  }
0xe: {  	[smem:$0x3FAE] =	sst s6  }
0xf: {  	[smem:$0x3FAF] =	sst s7  }
0x10: {  	[smem:$0x3FB0] =	sst s8  }
0x11: {  	[smem:$0x3FB1] =	sst s9;
	s0 =	simm.s32 @!p0 $0x0  }
0x12: {  	s1 =	sld [smem:$0x3F97];
	s0 =	simm.s32 @p0 $0x1  }
0x13: {  	[smem:$0x3FB2] =	sst s0;
	s0 =	simm.s32 @!p1 $0x0  }
0x14: {  	s2 =	sld [smem:$0x3F96];
	s0 =	simm.s32 @p1 $0x1  }
0x15: {  	[smem:$0x3FB3] =	sst s0;
	s0 =	simm.s32 @!p2 $0x0  }
0x16: {  	s3 =	sld [smem:$0x3FDB];
	s0 =	simm.s32 @p2 $0x1  }
0x17: {  	s4 =	simm.s32 $0x1BF5;
	[smem:$0x3FB5] =	sst s0  }
0x18: {  	s0 =	sld [smem:$0x3F98];
	_ =	swait.ge [sflag:s4], $0x0  }
0x19: {  	s7 =	sld [smem:$0x3F99]  }
0x1a: {  	s8 =	sadd.s32 $0xFFFFE003, lr  }
0x1b: {  	s9 =	sadd.s32 $0xFFFFFEF7, lr;
	s5 =	simm.s32 $0xFFFFFFFF;
	p2 =	slt.u32 s8, $0xFFFFF086  }
0x1c: {  	p1 =	slt.u32 s9, $0xF7A;
	s5 =	simm.s32 @!p2 $0x0  }
0x1d: {  	s5 =	simm.s32 @p1 $0x1;
	p0 =	seq.s32 s7, s2  }
0x1e: {  	s7 =	smul.u32 @!p0 $0xF7A, s2;
	p2 =	seq.s32 @!p0 s5, $0x0  }
0x1f: {  	s9 =	smul.u32 $0xF7A, s1;
	s8 =	simm.s32 @!p0 $0x1BF5;
	p2 =	por !p2, p0  }
0x20: {  	[sflag:s8] =	ssyncset.s32 @!p0 $0xFFFFF086;
	s6 =	sadd.s32 @!p0 s3, s7;
	s7 =	simm.s32 @!p0 $0x108  }
0x21: {  	s3 =	sadd.s32 s3, s9;
	s6 =	sadd.s32 @!p0 $0x88, s6;
	s7 =	simm.s32 @p2 $0x1082  }
0x22: {  	[simem:s7], [sflag:s8] =	dma.local @!p0 [hbm:s6], $0xF7A  }
0x23: {  	s9 =	sor.u32 $0xD0000000, s2;
	s6 =	simm.s32 $0x108;
	_ =	swait.ge @!p0 [sflag:s8], $0x0  }
0x24: {  	s3 =	sadd.s32 $0x88, s3;
	s6 =	simm.s32 @!p1 $0x1082;
	[sflag:s4] =	ssyncset.s32 $0xFFFFF086  }
0x25: {  	[simem:s6], [sflag:s4] =	dma.local [hbm:s3], $0xF7A  }
0x26: {  	[smem:$0x3F99] =	sst s1;
	(tag) =	ssettag s2;
	_ =	strace s9  }
0x27: {  	s1 =	sld [smem:$0x3FA9]  }
0x28: {  	s2 =	sld [smem:$0x3FAA]  }
0x29: {  	s4 =	sld [smem:$0x3FAC]  }
0x2a: {  	p0 =	seq.s32 s5, $0x0;
	s5 =	sld [smem:$0x3FAD]  }
0x2b: {  	s6 =	sld [smem:$0x3FAE]  }
0x2c: {  	s7 =	sld [smem:$0x3FAF]  }
0x2d: {  	s3 =	simm.s32 $0x108;
	s8 =	sld [smem:$0x3FB0]  }
0x2e: {  	s3 =	simm.s32 @!p0 $0x1082;
	s9 =	sld [smem:$0x3FB1]  }
0x2f: {  	lr =	sadd.s32 s0, s3;
	s0 =	sld [smem:$0x3FA8]  }
0x30: {  	s3 =	sld [smem:$0x3FAB]  }
0x31: {  	[smem:$0x3FB4] =	sst s10  }
0x32: {  	s10 =	sld [smem:$0x3FB2];
	_ =	sdelay $0x3  }
0x33: {  	p0 =	seq.s32 s10, $0x1;
	s10 =	sld [smem:$0x3FB4];
	_ =	sdelay $0x3  }
0x34: {  	[smem:$0x3FB4] =	sst s10  }
0x35: {  	s10 =	sld [smem:$0x3FB3];
	_ =	sdelay $0x3  }
0x36: {  	p1 =	seq.s32 s10, $0x1;
	s10 =	sld [smem:$0x3FB4];
	_ =	sdelay $0x3  }
0x37: {  	[smem:$0x3FB4] =	sst s10  }
0x38: {  	s10 =	sld [smem:$0x3FB5]  }
0x39: {  	_ = 	snop;
	(pc) =	sbr.ind lr, $3  }
0x3a: {  	_ = 	snop  }
0x3b: {  	_ = 	snop  }
0x3c: {  	p2 =	seq.s32 s10, $0x1;
	s10 =	sld [smem:$0x3FB4]  }
0x3d: {  	_ =	shalt  }
0x3e: {  	_ =	shalt  }
0x3f: {  	_ =	shalt  }
0x40: {  	_ =	shalt  }
0x41: {  	_ =	shalt  }
0x42: {  	_ =	shalt  }
0x43: {  	_ =	shalt  }
0x44: {  	_ =	shalt  }
0x45: {  	_ =	shalt  }
0x46: {  	_ =	shalt  }
0x47: {  	_ =	shalt  }
0x48: {  	_ =	shalt  }
0x49: {  	_ =	shalt  }
0x4a: {  	_ =	shalt  }
0x4b: {  	_ =	shalt  }
0x4c: {  	_ =	shalt  }
0x4d: {  	_ =	shalt  }
0x4e: {  	_ =	shalt  }
0x4f: {  	_ =	shalt  }
0x50: {  	_ =	shalt  }
0x51: {  	_ =	shalt  }
0x52: {  	_ =	shalt  }
0x53: {  	_ =	shalt  }
0x54: {  	_ =	shalt  }
0x55: {  	_ =	shalt  }
0x56: {  	_ =	shalt  }
0x57: {  	_ =	shalt  }
0x58: {  	_ =	shalt  }
0x59: {  	_ =	shalt  }
0x5a: {  	_ =	shalt  }
0x5b: {  	_ =	shalt  }
0x5c: {  	_ =	shalt  }
0x5d: {  	_ =	shalt  }
0x5e: {  	_ =	shalt  }
0x5f: {  	_ =	shalt  }
0x60: {  	_ =	shalt  }
0x61: {  	_ =	shalt  }
0x62: {  	_ =	shalt  }
0x63: {  	_ =	shalt  }
0x64: {  	_ =	shalt  }
0x65: {  	_ =	shalt  }
0x66: {  	_ =	shalt  }
0x67: {  	_ =	shalt  }
0x68: {  	_ =	shalt  }
0x69: {  	_ =	shalt  }
0x6a: {  	_ =	shalt  }
0x6b: {  	_ =	shalt  }
0x6c: {  	_ =	shalt  }
0x6d: {  	_ =	shalt  }
0x6e: {  	_ =	shalt  }
0x6f: {  	_ =	shalt  }
0x70: {  	_ =	shalt  }
0x71: {  	_ =	shalt  }
0x72: {  	_ =	shalt  }
0x73: {  	_ =	shalt  }
0x74: {  	_ =	shalt  }
0x75: {  	_ =	shalt  }
0x76: {  	_ =	shalt  }
0x77: {  	_ =	shalt  }
0x78: {  	_ =	shalt  }
0x79: {  	_ =	shalt  }
0x7a: {  	_ =	shalt  }
0x7b: {  	_ =	shalt  }
0x7c: {  	_ =	shalt  }
0x7d: {  	_ =	shalt  }
0x7e: {  	_ =	shalt  }
0x7f: {  	_ =	shalt  }
0x80: {  	_ =	shalt  }
0x81: {  	_ =	shalt  }
0x82: {  	_ =	shalt  }
0x83: {  	_ =	shalt  }
0x84: {  	_ =	shalt  }
0x85: {  	_ =	shalt  }
0x86: {  	_ =	shalt  }
0x87: {  	_ =	shalt  }
.Lfunc_end0:
.L_simem_size_0:
called_computation_lowered:
.L_overlay_start_0:
0x88: {  	s2 =	sld [smem:$0x3FD9]  }
0x89: {  	s3 =	sld [smem:$0x3FFE];
	_ =	sdelay $0x1  }
0x8a: {  	s1 =	srdreg.scid  }
0x8b: {  	s0 =	sand.u32 $0x1, s1  }
0x8c: {  	s17 =	sshll.u32 s0, $0xA;
	s2 =	sadd.s32 s3, s2  }
0x8d: {  	s2 =	sadd.s32 s2, s17  }
0x8e: {  	[smem:$0x3FC0] =	sst s2  }
0x8f: {  	_ = 	snop  }
0x90: {  	s2 =	sld [smem:$0x3FD0];
	(tm) =	ssettm $0x1  }
0x91: {  	s18 =	sld [smem:$0x3FFB];
	_ =	sdelay $0x3  }
0x92: {  	_ =	strace s18  }
0x93: {  	s3 =	sld [smem:$0x3FFC];
	_ =	sdelay $0x3  }
0x94: {  	_ =	strace s3  }
0x95: {  	s3 =	sld [smem:$0x3FFD];
	_ =	sdelay $0x3  }
0x96: {  	_ =	strace s3  }
0x97: {  	_ =	strace $0x8FFFFFFF  }
0x98: {  	s19 =	sld [smem:$0x3FDB];
	_ =	sdelay $0x1  }
0x99: {  	s4 =	simm.s32 $_scs_section_size  }
0x9a: {  	s5 =	simm.s32 $_size__tile_overlayer_lowered;
	s6 =	simm.s32 $_tile_overlayer_lowered  }
0x9b: {  	s22 =	simm.s32 $0x1BFF;
	s21 =	sshll.u32 s6, $0x1;
	s3 =	sadd.s32 s4, s19  }
0x9c: {  	s7 =	simm.s32 $0x0;
	s20 =	sshll.u32 s5, $0x1;
	s5 =	sadd.s32 s21, s3  }
0x9d: {  	[timem:s7], [sflag:s22] =	dma.local [hbm:s5], s20  }
0x9e: {  	_ =	swait.ge [sflag:s22], s20  }
0x9f: {  	s4 =	ssub.s32 $0x0, s20;
	[sflag:s22] =	ssyncset.done $0x0  }
0xa0: {  	[sflag:s22] =	ssyncadd.s32 s4;
	_ =	sdelay $0x1  }
0xa1: {  	s23 =	simm.s32 $0x1B8B  }
0xa2: {  	_ =	swait.ge [sflag:s23], $0x1  }
0xa3: {  	[sflag:s23] =	ssyncset.done $0x0  }
0xa4: {  	s25 =	simm.s32 $0x1B8E;
	s24 =	sld [smem:$0x3FFE];
	[sflag:s23] =	ssyncadd.s32 $0xFFFFFFFF  }
0xa5: {  	s26 =	simm.s32 $execute0_lowered;
	[smem:$0x3FD2] =	sst s25  }
0xa6: {  	s5 =	sshll.u32 s26, $0x1;
	_ =	strace $0x80000046;
	[dreg:$0x1] =	wrdreg $0xFFFFFFFF  }
0xa7: {  	s28 =	simm.s32 $_size_execute0_lowered;
	s3 =	sadd.s32 s3, s5;
	[dreg:$0x0] =	wrdreg $0x0  }
0xa8: {  	s5 =	sshll.u32 s28, $0x1;
	[dreg:$0x2] =	wrdreg s3  }
0xa9: {  	[dreg:$0x3] =	wrdreg s5  }
0xaa: {  	[dreg:$0x4] =	wrdreg $0xC0  }
0xab: {  	_ =	task [dreg:s7], $0x5FFFF  }
0xac: {  	[dreg:$0x1] =	wrdreg $0xFFFFFFFF  }
0xad: {  	[dreg:$0x0] =	wrdreg $0x60  }
0xae: {  	[dreg:$0x2] =	wrdreg s24  }
0xaf: {  	[dreg:$0x3] =	wrdreg s2  }
0xb0: {  	[dreg:$0x4] =	wrdreg $0x0  }
0xb1: {  	[dreg:$0x5] =	wrdreg $0x138800  }
0xb2: {  	[dreg:$0x6] =	wrdreg $0x9  }
0xb3: {  	_ =	task.clear_ibuf [dreg:s7], $0x7FFFF;
	_ =	strace $0x90000046  }
0xb4: {  	s29 =	simm.s32 $0x9;
	_ =	strace $0x80000048  }
0xb5: {  	_ =	swait.ge [sflag:s29], $0x1  }
0xb6: {  	[sflag:s29] =	ssyncadd.s32 $0xFFFFFFFF  }
0xb7: {  	_ =	strace $0x90000048  }
0xb8: {  	_ =	sfence  }
0xb9: {  	s30 =	sld [smem:$0x0];
	_ =	sdelay $0x2  }
0xba: {  	s31 =	sshll.u32 s1, $0xD;
	s1 =	sshrl.u32 s1, $0x2  }
0xbb: {  	s3 =	sand.u32 $0x4000, s31;
	s1 =	sadd.s32 s1, s30  }
0xbc: {  	s0 =	sor.u32 s3, s0;
	s1 =	sshll.u32 s1, $0x11  }
0xbd: {  	s0 =	sor.u32 s1, s0  }
0xbe: {  	s0 =	sadd.s32 $0x8F2B, s0  }
0xbf: {  	[sflag:s0] =	ssyncadd.remote.s32 $0x1  }
0xc0: {  	_ =	sfence.sel $0xFFFF  }
0xc1: {  	[dreg:$0x0] =	wrdreg $0xFFFFFFFF;
	(pc) =	sbr.abs _section_cstart, $3  }
0xc2: {  	[dreg:$0x1] =	wrdreg $0xFFFFFFFF  }
0xc3: {  	_ =	task.clear_ibuf [dreg:s7], $0x2FFFF;
	_ =	strace $0x9FFFFFFF  }
0xc4: {  	(tm) =	ssettm $0x7FFFFFFF  }
0xc5: {  	_ =	shalt  }
tec
execute0_lowered:
.L_overlay_start_1:
0x0: {  	(tag) =	ssettag $0x1  }
0x1: {  	s0 =	rddreg [dreg:$0x0]  }
0x2: {  	s6 =	rddreg [dreg:$0x1]  }
0x3: {  	s1 =	srdreg.scid;
	s2 =	rddreg [dreg:$0x2]  }
0x4: {  	s17 =	stileid.u32;
	s3 =	rddreg [dreg:$0x3]  }
0x5: {  	s29 =	simm.s32 $0x8;
	s30 =	simm.s32 $0x2;
	s31 =	simm.s32 $0x9  }
0x6: {  	s28 =	simm.s32 $0x0;
	s1 =	sand.u32 $0x1, s1;
	s11 =	smul.u32 $0x4E000, s17  }
0x7: {  	s8 =	sadd.s32 $0xBC00, s0;
	s10 =	sadd.s32 $0x3D200, s0;
	s13 =	smul.u32 $0x4E00, s17  }
0x8: {  	s22 =	sadd.s32 $0x3CC00, s0;
	s12 =	sadd.s32 $0x3D000, s0;
	s14 =	smul.u32 $0x13800, s17  }
0x9: {  	s15 =	sadd.s32 $0x124800, s2;
	s16 =	smul.u32 $0x2700, s17;
	s18 =	sadd.s32 $0x12480, s3  }
0xa: {  	p0 =	seq.s32 s17, $0xF;
	s4 =	sshll.u32 s1, $0x4;
	s23 =	ssub.s32 $0x2, s1  }
0xb: {  	s25 =	smul.u32 $0x138800, s1;
	s5 =	sor.u32 s17, s4;
	s4 =	simm.s32 $0x0  }
0xc: {  	s1 =	smul.u32 $0x27100, s1;
	s24 =	sshrl.u32 s23, $0x1;
	[smem:$0x7FF] =	sst s4  }
0xd: {  	s11 =	sshrl.u32 s11, $0x2;
	_ =	strace $0x80000047;
	[dreg:$0x5] =	wrdreg s10  }
0xe: {  	s13 =	sshrl.u32 s13, $0x2;
	s7 =	smul.u32 $0x2710, s5;
	[dreg:$0x6] =	wrdreg s22  }
0xf: {  	s5 =	sadd.s32 $0x15A00, s0;
	s11 =	sadd.s32 s11, s2;
	[dreg:$0x7] =	wrdreg s12  }
0x10: {  	s13 =	sadd.s32 s13, s3;
	s26 =	sadd.s32 s14, s25;
	[dreg:$0x8] =	wrdreg s15  }
0x11: {  	s21 =	sadd.s32 s16, s1;
	s10 =	ssub.s32 s23, s24;
	[dreg:$0x9] =	wrdreg s18  }
0x12: {  	s19 =	sshrl.u32 s26, $0x3;
	s22 =	sshrl.u32 s25, $0x3;
	s23 =	smul.u32 $0x2710, s17  }
0x13: {  	s24 =	sshrl.u32 s1, $0x4;
	s25 =	sshrl.u32 s16, $0x1;
	s7 =	sshrl.u32 s7, $0x3  }
0x14: {  	s9 =	sadd.s32 s7, s0;
	s0 =	sadd.s32 $0x3FA00, s0;
	s15 =	sadd.s32 s8, s7  }
0x15: {  	s7 =	sshrl.u32 s21, $0x4;
	s1 =	sadd.s32 s23, s1;
	s9 =	sadd.s32 $0x1E00, s9  }
0x16: {  	s20 =	sadd.s32 s0, s19;
	s7 =	sadd.s32 s6, s7;
	[dreg:$0xb] =	wrdreg s15  }
0x17: {  	s0 =	sadd.s32 s0, s22;
	s6 =	sadd.s32 s6, s24;
	[dreg:$0xa] =	wrdreg s9  }
0x18: {  	s26 =	sadd.s32 $0x280, s1;
	s12 =	sadd.s32 $0x230, s1;
	[dreg:$0xc] =	wrdreg s20  }
0x19: {  	s1 =	sadd.s32 $0x1E0, s1;
	s18 =	sadd.s32 $0xA, s15;
	[dreg:$0xd] =	wrdreg s7  }
0x1a: {  	s21 =	sadd.s32 $0x14, s15;
	s22 =	sadd.s32 $0x1E, s15;
	[dreg:$0x11] =	wrdreg s18  }
0x1b: {  	s23 =	sadd.s32 $0x28, s15;
	s24 =	sadd.s32 $0x32, s15;
	[dreg:$0x19] =	wrdreg s21  }
0x1c: {  	s7 =	sshrl.u32 s26, $0x3;
	s12 =	sshrl.u32 s12, $0x3;
	[dreg:$0x1a] =	wrdreg s22  }
0x1d: {  	s1 =	sshrl.u32 s1, $0x3;
	s0 =	sadd.s32 $0x24900, s0;
	[dreg:$0x1b] =	wrdreg s23  }
0x1e: {  	s19 =	sadd.s32 $0x2490, s6;
	s20 =	smax.u32 s10, $0x1;
	[dreg:$0x1c] =	wrdreg s24  }
0x1f: {  	s26 =	sadd.s32 $0x4D8, s15;
	s10 =	simm.s32 $0x17318;
	s18 =	simm.s32 $0x17408  }
0x20: {  	s21 =	simm.s32 $0x1C408;
	s22 =	simm.s32 $0x5;
	[dreg:$0x12] =	wrdreg s0  }
0x21: {  	s24 =	simm.s32 $0x7;
	s23 =	simm.s32 $0xA;
	[dreg:$0x13] =	wrdreg s19  }
0x22: {  	s7 =	sadd.s32 s7, s8;
	s16 =	sadd.s32 s12, s8;
	[dreg:$0x14] =	wrdreg s20  }
0x23: {  	s1 =	sadd.s32 s1, s8;
	s0 =	sshrl.u32 @!p0 s11, $0x3;
	[dreg:$0x1e] =	wrdreg s26  }
0x24: {  	s8 =	simm.s32 $0xB;
	s11 =	simm.s32 $0x17368;
	[dreg:$0xe] =	wrdreg s7  }
0x25: {  	s19 =	simm.s32 $0x19C08;
	s20 =	simm.s32 $0x4;
	[dreg:$0xf] =	wrdreg s16  }
0x26: {  	s26 =	simm.s32 $0x6;
	[dreg:$0x10] =	wrdreg s1;
	s1 =	sadd.s32 s14, s2  }
0x27: {  	s7 =	sadd.s32 s25, s3;
	[dreg:$0x15] =	wrdreg s0;
	s0 =	sshrl.u32 @!p0 s13, $0x3  }
0x28: {  	s25 =	sadd.s32 $0x4CE, s15;
	s13 =	simm.s32 $0x173B8;
	[dreg:$0x16] =	wrdreg s0  }
0x29: {  	s14 =	simm.s32 $0x50;
	s0 =	sshrl.u32 @!p0 s1, $0x3;
	[dreg:$0x1d] =	wrdreg s25  }
0x2a: {  	s25 =	simm.s32 $0x1;
	[dreg:$0x17] =	wrdreg s0;
	s0 =	sshrl.u32 @!p0 s7, $0x3  }
0x2b: {  	s1 =	simm.s32 $0x3;
	[dreg:$0x18] =	wrdreg s0;
	s0 =	simm.s32 $0x1EC08  }
.LBB2_1:
0x2c: {  	s6 =	rddreg [dreg:$0x8]  }
0x2d: {  	s9 =	rddreg [dreg:$0x5];
	s6 =	sshrl.u32 @p0 s6, $0x3  }
0x2e: {  	s7 =	simm.s32 @p0 $0x1FCB;
	s12 =	simm.s32 @p0 $0xB;
	[dreg:$0x1f] =	wrdreg s6  }
0x2f: {  	[spmem:s6], [sflag:s7] =	dma.local @p0 [hbm:s9], $0x2800  }
0x30: {  	_ =	swait.ge @p0 [sflag:s12], $0x2800  }
0x31: {  	s6 =	rddreg [dreg:$0x9]  }
0x32: {  	[sflag:s12] =	ssyncset.done @p0 $0x0;
	s15 =	rddreg [dreg:$0x6];
	s6 =	sshrl.u32 @p0 s6, $0x3  }
0x33: {  	[sflag:s12] =	ssyncadd.s32 @p0 $0xFFFFD800;
	[smem:$0x7FD] =	sst s6  }
0x34: {  	[spmem:s6], [sflag:s7] =	dma.local @p0 [hbm:s15], $0x280  }
0x35: {  	s6 =	stileid.u32;
	_ =	swait.ge @p0 [sflag:s12], $0x280  }
0x36: {  	s7 =	sshll.u32 @!p0 s6, $0x6;
	[sflag:s12] =	ssyncset.done @p0 $0x0;
	s6 =	rddreg [dreg:$0x15]  }
0x37: {  	[sflag:s12] =	ssyncadd.s32 @p0 $0xFFFFFD80;
	s12 =	sor.u32 @!p0 $0x1C0B, s7;
	s7 =	simm.s32 @!p0 $0xB  }
0x38: {  	[spmem:s6], [sflag:s12] =	dma.local @!p0 [hbm:s9], $0x2700  }
0x39: {  	_ =	swait.ge @!p0 [sflag:s7], $0x2700  }
0x3a: {  	[sflag:s7] =	ssyncset.done @!p0 $0x0  }
0x3b: {  	s6 =	rddreg [dreg:$0x16];
	[sflag:s7] =	ssyncadd.s32 @!p0 $0xFFFFD900  }
0x3c: {  	[spmem:s6], [sflag:s12] =	dma.local @!p0 [hbm:s15], $0x270  }
0x3d: {  	_ =	swait.ge @!p0 [sflag:s7], $0x270  }
0x3e: {  	[sflag:s7] =	ssyncset.done @!p0 $0x0  }
0x3f: {  	s16 =	rddreg [dreg:$0x7];
	[sflag:s7] =	ssyncadd.s32 @!p0 $0xFFFFFD90  }
0x40: {  	[tilespmem:s0], [sflag:$0xB] =	stream.linear.gather [hbm4b:s16+s4], $0x280, $0x38;
	[tilespmem:$0x1EE88] =	vst v63  }
0x41: {  	_ =	swait.ge [sflag:s8], $0x280  }
0x42: {  	[sflag:s8] =	ssyncset.done $0x0  }
0x43: {  	s7 =	simm.s32 $0x14C08;
	s17 =	rddreg [dreg:$0xa];
	[sflag:s8] =	ssyncadd.s32 $0xFFFFFD80  }
0x44: {  	[tilespmem:s7], [sflag:$0xB] =	stream.linear.gather [hbm4b:s17+s4], $0x2710, $0x38;
	[tilespmem:$0x1EE88] =	vst v63  }
0x45: {  	_ =	swait.ge [sflag:s8], $0x2710  }
0x46: {  	[sflag:s8] =	ssyncset.done $0x0  }
0x47: {  	s9 =	rddreg [dreg:$0xb];
	[sflag:s8] =	ssyncadd.s32 $0xFFFFD8F0  }
0x48: {  	[tilespmem:s10], [sflag:$0xB] =	stream.linear.gather [hbm4b:s9+s4], $0x50, $0x38;
	[tilespmem:$0x1EE88] =	vst v63  }
0x49: {  	_ =	swait.ge [sflag:s8], $0x50  }
0x4a: {  	[sflag:s8] =	ssyncset.done $0x0  }
0x4b: {  	s15 =	rddreg [dreg:$0x11];
	[sflag:s8] =	ssyncadd.s32 $0xFFFFFFB0  }
0x4c: {  	[tilespmem:s11], [sflag:$0xB] =	stream.linear.gather [hbm4b:s15+s4], $0x50, $0x38;
	[tilespmem:$0x1EE88] =	vst v63  }
0x4d: {  	_ =	swait.ge [sflag:s8], $0x50  }
0x4e: {  	[sflag:s8] =	ssyncset.done $0x0  }
0x4f: {  	s16 =	rddreg [dreg:$0x19];
	[sflag:s8] =	ssyncadd.s32 $0xFFFFFFB0  }
0x50: {  	[tilespmem:s13], [sflag:$0xB] =	stream.linear.gather [hbm4b:s16+s4], $0x50, $0x38;
	[tilespmem:$0x1EE88] =	vst v63  }
0x51: {  	_ =	swait.ge [sflag:s8], $0x50  }
0x52: {  	[sflag:s8] =	ssyncset.done $0x0  }
0x53: {  	[sflag:s8] =	ssyncadd.s32 $0xFFFFFFB0  }
0x54: {  	[bflag:$0x0] =	sbarrier.arrive $0xFFFF  }
0x55: {  	[tilespmem:s18], [sflag:$0x4] =	stream.indirect.gather [hbm4b:s5+s14], $0x80, s10, s14, $0xb8;
	[tilespmem:$0x1EE88] =	vst v63  }
0x56: {  	_ = 	snop  }
0x57: {  	[tilespmem:s19], [sflag:$0x5] =	stream.indirect.gather [hbm4b:s5+s14], $0x80, s11, s14, $0xb8;
	[tilespmem:$0x1EE88] =	vst v63  }
0x58: {  	_ =	swait.ge [sflag:s20], $0x2800  }
0x59: {  	[sflag:s20] =	ssyncset.done $0x0  }
0x5a: {  	s17 =	rddreg [dreg:$0x1a];
	[sflag:s20] =	ssyncadd.s32 $0xFFFFD800  }
0x5b: {  	[tilespmem:s10], [sflag:$0x1] =	stream.linear.gather [hbm4b:s17+s4], $0x50, $0x38;
	[tilespmem:$0x1EE88] =	vst v63  }
0x5c: {  	_ = 	snop  }
0x5d: {  	[spmem:s2] =	stream.indirect.scatter.add.f32 [tilespmem:s18], [sflag:$0x7], $0x80, s7, s14, $0xb8;
	[tilespmem:$0x1EE88] =	vst v63  }
0x5e: {  	_ = 	snop  }
0x5f: {  	[spmem:s3] =	stream.indirect.scatter.add.bf16 [tilespmem:s0], [sflag:$0xA], $0x8, s7, s14, $0xb8;
	[tilespmem:$0x1EE88] =	vst v63  }
0x60: {  	_ = 	snop  }
0x61: {  	[tilespmem:s21], [sflag:$0x6] =	stream.indirect.gather [hbm4b:s5+s14], $0x80, s13, s14, $0xb8;
	[tilespmem:$0x1EE88] =	vst v63  }
0x62: {  	_ =	swait.ge [sflag:s22], $0x2800  }
0x63: {  	[sflag:s22] =	ssyncset.done $0x0  }
0x64: {  	s7 =	rddreg [dreg:$0x1b];
	[sflag:s22] =	ssyncadd.s32 $0xFFFFD800  }
0x65: {  	[tilespmem:s11], [sflag:$0x2] =	stream.linear.gather [hbm4b:s7+s4], $0x50, $0x38;
	[tilespmem:$0x1EE88] =	vst v63  }
0x66: {  	s9 =	simm.s32 $0x14C58  }
0x67: {  	[spmem:s2] =	stream.indirect.scatter.add.f32 [tilespmem:s19], [sflag:$0x8], $0x80, s9, s14, $0xb8;
	[tilespmem:$0x1EE88] =	vst v63  }
0x68: {  	_ = 	snop  }
0x69: {  	[spmem:s3] =	stream.indirect.scatter.add.bf16 [tilespmem:s0], [sflag:$0xA], $0x8, s9, s14, $0xb8;
	[tilespmem:$0x1EE88] =	vst v63  }
0x6a: {  	_ =	swait.ge [sflag:s24], $0x2800  }
0x6b: {  	[sflag:s24] =	ssyncset.done $0x0  }
0x6c: {  	[sflag:s24] =	ssyncadd.s32 $0xFFFFD800  }
0x6d: {  	_ =	swait.ge [sflag:s25], $0x50  }
0x6e: {  	[sflag:s25] =	ssyncset.done $0x0  }
0x6f: {  	[sflag:s25] =	ssyncadd.s32 $0xFFFFFFB0  }
0x70: {  	[tilespmem:s18], [sflag:$0x4] =	stream.indirect.gather [hbm4b:s5+s14], $0x80, s10, s14, $0xb8;
	[tilespmem:$0x1EE88] =	vst v63  }
0x71: {  	_ =	swait.ge [sflag:s26], $0x2800  }
0x72: {  	[sflag:s26] =	ssyncset.done $0x0  }
0x73: {  	s15 =	rddreg [dreg:$0x1c];
	[sflag:s26] =	ssyncadd.s32 $0xFFFFD800  }
0x74: {  	[tilespmem:s13], [sflag:$0x3] =	stream.linear.gather [hbm4b:s15+s4], $0x50, $0x38;
	[tilespmem:$0x1EE88] =	vst v63  }
0x75: {  	s16 =	simm.s32 $0x14CA8  }
0x76: {  	[spmem:s2] =	stream.indirect.scatter.add.f32 [tilespmem:s21], [sflag:$0x9], $0x80, s16, s14, $0xb8;
	[tilespmem:$0x1EE88] =	vst v63  }
0x77: {  	_ = 	snop  }
0x78: {  	[spmem:s3] =	stream.indirect.scatter.add.bf16 [tilespmem:s0], [sflag:$0xA], $0x8, s16, s14, $0xb8;
	[tilespmem:$0x1EE88] =	vst v63  }
0x79: {  	_ =	swait.ge [sflag:s29], $0x2800  }
0x7a: {  	[sflag:s29] =	ssyncset.done $0x0  }
0x7b: {  	[sflag:s29] =	ssyncadd.s32 $0xFFFFD800  }
0x7c: {  	_ =	swait.ge [sflag:s30], $0x50  }
0x7d: {  	[sflag:s30] =	ssyncset.done $0x0  }
0x7e: {  	[sflag:s30] =	ssyncadd.s32 $0xFFFFFFB0  }
0x7f: {  	[tilespmem:s19], [sflag:$0x5] =	stream.indirect.gather [hbm4b:s5+s14], $0x80, s11, s14, $0xb8;
	[tilespmem:$0x1EE88] =	vst v63  }
0x80: {  	_ =	swait.ge [sflag:s20], $0x2800  }
0x81: {  	[sflag:s20] =	ssyncset.done $0x0  }
0x82: {  	s15 =	rddreg [dreg:$0x10];
	[sflag:s20] =	ssyncadd.s32 $0xFFFFD800  }
0x83: {  	[tilespmem:s10], [sflag:$0x1] =	stream.linear.gather [hbm4b:s15+s4], $0x50, $0x38;
	[tilespmem:$0x1EE88] =	vst v63  }
0x84: {  	s17 =	simm.s32 $0x14CF8  }
0x85: {  	[spmem:s2] =	stream.indirect.scatter.add.f32 [tilespmem:s18], [sflag:$0x7], $0x80, s17, s14, $0xb8;
	[tilespmem:$0x1EE88] =	vst v63  }
0x86: {  	_ = 	snop  }
0x87: {  	[spmem:s3] =	stream.indirect.scatter.add.bf16 [tilespmem:s0], [sflag:$0xA], $0x8, s17, s14, $0xb8;
	[tilespmem:$0x1EE88] =	vst v63  }
0x88: {  	_ =	swait.ge [sflag:s31], $0x2800  }
0x89: {  	[sflag:s31] =	ssyncset.done $0x0  }
0x8a: {  	[sflag:s31] =	ssyncadd.s32 $0xFFFFD800  }
0x8b: {  	_ =	swait.ge [sflag:s1], $0x50  }
0x8c: {  	[sflag:s1] =	ssyncset.done $0x0  }
0x8d: {  	[sflag:s1] =	ssyncadd.s32 $0xFFFFFFB0  }
0x8e: {  	[tilespmem:s21], [sflag:$0x6] =	stream.indirect.gather [hbm4b:s5+s14], $0x80, s13, s14, $0xb8;
	[tilespmem:$0x1EE88] =	vst v63  }
0x8f: {  	_ =	swait.ge [sflag:s22], $0x2800  }
0x90: {  	[sflag:s22] =	ssyncset.done $0x0  }
0x91: {  	s9 =	rddreg [dreg:$0xf];
	[sflag:s22] =	ssyncadd.s32 $0xFFFFD800  }
0x92: {  	[tilespmem:s11], [sflag:$0x2] =	stream.linear.gather [hbm4b:s9+s4], $0x50, $0x38;
	[tilespmem:$0x1EE88] =	vst v63  }
0x93: {  	s6 =	simm.s32 $0x14D48  }
0x94: {  	[spmem:s2] =	stream.indirect.scatter.add.f32 [tilespmem:s19], [sflag:$0x8], $0x80, s6, s14, $0xb8;
	[tilespmem:$0x1EE88] =	vst v63  }
0x95: {  	_ = 	snop  }
0x96: {  	[spmem:s3] =	stream.indirect.scatter.add.bf16 [tilespmem:s0], [sflag:$0xA], $0x8, s6, s14, $0xb8;
	[tilespmem:$0x1EE88] =	vst v63  }
0x97: {  	_ =	swait.ge [sflag:s24], $0x2800  }
0x98: {  	[sflag:s24] =	ssyncset.done $0x0  }
0x99: {  	[sflag:s24] =	ssyncadd.s32 $0xFFFFD800  }
0x9a: {  	_ =	swait.ge [sflag:s25], $0x50  }
0x9b: {  	[sflag:s25] =	ssyncset.done $0x0  }
0x9c: {  	[sflag:s25] =	ssyncadd.s32 $0xFFFFFFB0  }
0x9d: {  	[tilespmem:s18], [sflag:$0x4] =	stream.indirect.gather [hbm4b:s5+s14], $0x80, s10, s14, $0xb8;
	[tilespmem:$0x1EE88] =	vst v63  }
0x9e: {  	_ =	swait.ge [sflag:s26], $0x2800  }
0x9f: {  	[sflag:s26] =	ssyncset.done $0x0  }
0xa0: {  	s16 =	rddreg [dreg:$0xe];
	[sflag:s26] =	ssyncadd.s32 $0xFFFFD800  }
0xa1: {  	[tilespmem:s13], [sflag:$0x3] =	stream.linear.gather [hbm4b:s16+s4], $0x50, $0x38;
	[tilespmem:$0x1EE88] =	vst v63  }
0xa2: {  	s17 =	simm.s32 $0x14D98  }
0xa3: {  	[spmem:s2] =	stream.indirect.scatter.add.f32 [tilespmem:s21], [sflag:$0x9], $0x80, s17, s14, $0xb8;
	[tilespmem:$0x1EE88] =	vst v63  }
0xa4: {  	_ = 	snop  }
0xa5: {  	[spmem:s3] =	stream.indirect.scatter.add.bf16 [tilespmem:s0], [sflag:$0xA], $0x8, s17, s14, $0xb8;
	[tilespmem:$0x1EE88] =	vst v63  }
0xa6: {  	_ =	swait.ge [sflag:s29], $0x2800  }
0xa7: {  	[sflag:s29] =	ssyncset.done $0x0  }
0xa8: {  	[sflag:s29] =	ssyncadd.s32 $0xFFFFD800  }
0xa9: {  	_ =	swait.ge [sflag:s30], $0x50  }
0xaa: {  	s7 =	simm.s32 $0x3C0;
	s15 =	sadd.s32 $0x1E, s15;
	[sflag:s30] =	ssyncset.done $0x0  }
0xab: {  	s16 =	sadd.s32 $0x1E, s16;
	s17 =	sadd.s32 $0x1E, s9;
	[sflag:s30] =	ssyncadd.s32 $0xFFFFFFB0  }
.LBB2_2:
0xac: {  	[tilespmem:s19], [sflag:$0x5] =	stream.indirect.gather [hbm4b:s5+s14], $0x80, s11, s14, $0xb8;
	[tilespmem:$0x1EE88] =	vst v63  }
0xad: {  	s9 =	smov.u32 s7;
	s7 =	sadd.s32 $0x3C0, s7;
	_ =	swait.ge [sflag:s20], $0x2800  }
0xae: {  	p1 =	sne.s32 s7, $0x9240;
	[sflag:s20] =	ssyncset.done $0x0  }
0xaf: {  	s9 =	sshra.s32 s9, $0x2;
	[sflag:s20] =	ssyncadd.s32 $0xFFFFD800  }
0xb0: {  	[tilespmem:s10], [sflag:$0x1] =	stream.linear.gather [hbm4b:s15+s4], $0x50, $0x38;
	[tilespmem:$0x1EE88] =	vst v63  }
0xb1: {  	s6 =	sadd.s32 $0x14CF8, s9  }
0xb2: {  	[spmem:s2] =	stream.indirect.scatter.add.f32 [tilespmem:s18], [sflag:$0x7], $0x80, s6, s14, $0xb8;
	[tilespmem:$0x1EE88] =	vst v63  }
0xb3: {  	_ = 	snop  }
0xb4: {  	[spmem:s3] =	stream.indirect.scatter.add.bf16 [tilespmem:s0], [sflag:$0xA], $0x8, s6, s14, $0xb8;
	[tilespmem:$0x1EE88] =	vst v63  }
0xb5: {  	_ =	swait.ge [sflag:s31], $0x2800  }
0xb6: {  	[sflag:s31] =	ssyncset.done $0x0  }
0xb7: {  	[sflag:s31] =	ssyncadd.s32 $0xFFFFD800  }
0xb8: {  	_ =	swait.ge [sflag:s1], $0x50  }
0xb9: {  	[sflag:s1] =	ssyncset.done $0x0  }
0xba: {  	[sflag:s1] =	ssyncadd.s32 $0xFFFFFFB0  }
0xbb: {  	[tilespmem:s21], [sflag:$0x6] =	stream.indirect.gather [hbm4b:s5+s14], $0x80, s13, s14, $0xb8;
	[tilespmem:$0x1EE88] =	vst v63  }
0xbc: {  	_ =	swait.ge [sflag:s22], $0x2800  }
0xbd: {  	[sflag:s22] =	ssyncset.done $0x0  }
0xbe: {  	[sflag:s22] =	ssyncadd.s32 $0xFFFFD800  }
0xbf: {  	[tilespmem:s11], [sflag:$0x2] =	stream.linear.gather [hbm4b:s17+s4], $0x50, $0x38;
	[tilespmem:$0x1EE88] =	vst v63  }
0xc0: {  	s6 =	sadd.s32 $0x14D48, s9  }
0xc1: {  	[spmem:s2] =	stream.indirect.scatter.add.f32 [tilespmem:s19], [sflag:$0x8], $0x80, s6, s14, $0xb8;
	[tilespmem:$0x1EE88] =	vst v63  }
0xc2: {  	_ = 	snop  }
0xc3: {  	[spmem:s3] =	stream.indirect.scatter.add.bf16 [tilespmem:s0], [sflag:$0xA], $0x8, s6, s14, $0xb8;
	[tilespmem:$0x1EE88] =	vst v63  }
0xc4: {  	_ =	swait.ge [sflag:s24], $0x2800  }
0xc5: {  	[sflag:s24] =	ssyncset.done $0x0  }
0xc6: {  	[sflag:s24] =	ssyncadd.s32 $0xFFFFD800  }
0xc7: {  	_ =	swait.ge [sflag:s25], $0x50  }
0xc8: {  	[sflag:s25] =	ssyncset.done $0x0  }
0xc9: {  	[sflag:s25] =	ssyncadd.s32 $0xFFFFFFB0  }
0xca: {  	[tilespmem:s18], [sflag:$0x4] =	stream.indirect.gather [hbm4b:s5+s14], $0x80, s10, s14, $0xb8;
	[tilespmem:$0x1EE88] =	vst v63  }
0xcb: {  	_ =	swait.ge [sflag:s26], $0x2800  }
0xcc: {  	[sflag:s26] =	ssyncset.done $0x0  }
0xcd: {  	[sflag:s26] =	ssyncadd.s32 $0xFFFFD800  }
0xce: {  	[tilespmem:s13], [sflag:$0x3] =	stream.linear.gather [hbm4b:s16+s4], $0x50, $0x38;
	[tilespmem:$0x1EE88] =	vst v63  }
0xcf: {  	s6 =	sadd.s32 $0x14D98, s9  }
0xd0: {  	[spmem:s2] =	stream.indirect.scatter.add.f32 [tilespmem:s21], [sflag:$0x9], $0x80, s6, s14, $0xb8;
	[tilespmem:$0x1EE88] =	vst v63  }
0xd1: {  	_ = 	snop  }
0xd2: {  	[spmem:s3] =	stream.indirect.scatter.add.bf16 [tilespmem:s0], [sflag:$0xA], $0x8, s6, s14, $0xb8;
	[tilespmem:$0x1EE88] =	vst v63  }
0xd3: {  	_ =	swait.ge [sflag:s29], $0x2800  }
.Ltmp0:
0xd4: {  	[sflag:s29] =	ssyncset.done $0x0;
	(pc) =	sbr.rel @p1 .LBB2_2-.Ltmp0, $4  }
0xd5: {  	[sflag:s29] =	ssyncadd.s32 $0xFFFFD800  }
0xd6: {  	_ =	swait.ge [sflag:s30], $0x50  }
0xd7: {  	s15 =	sadd.s32 $0x1E, s15;
	[sflag:s30] =	ssyncset.done $0x0  }
0xd8: {  	s17 =	sadd.s32 $0x1E, s17;
	s16 =	sadd.s32 $0x1E, s16;
	[sflag:s30] =	ssyncadd.s32 $0xFFFFFFB0  }
0xd9: {  	[tilespmem:s19], [sflag:$0x5] =	stream.indirect.gather [hbm4b:s5+s14], $0x80, s11, s14, $0xb8;
	[tilespmem:$0x1EE88] =	vst v63  }
0xda: {  	_ =	swait.ge [sflag:s20], $0x2800  }
0xdb: {  	[sflag:s20] =	ssyncset.done $0x0  }
0xdc: {  	s17 =	sshra.s32 s7, $0x2;
	s6 =	rddreg [dreg:$0x1d];
	[sflag:s20] =	ssyncadd.s32 $0xFFFFD800  }
0xdd: {  	[tilespmem:s10], [sflag:$0x1] =	stream.linear.gather [hbm4b:s6+s4], $0x50, $0x38;
	[tilespmem:$0x1EE88] =	vst v63  }
0xde: {  	s7 =	sadd.s32 $0x14CF8, s17  }
0xdf: {  	[spmem:s2] =	stream.indirect.scatter.add.f32 [tilespmem:s18], [sflag:$0x7], $0x80, s7, s14, $0xb8;
	[tilespmem:$0x1EE88] =	vst v63  }
0xe0: {  	_ = 	snop  }
0xe1: {  	[spmem:s3] =	stream.indirect.scatter.add.bf16 [tilespmem:s0], [sflag:$0xA], $0x8, s7, s14, $0xb8;
	[tilespmem:$0x1EE88] =	vst v63  }
0xe2: {  	_ =	swait.ge [sflag:s31], $0x2800  }
0xe3: {  	[sflag:s31] =	ssyncset.done $0x0  }
0xe4: {  	[sflag:s31] =	ssyncadd.s32 $0xFFFFD800  }
0xe5: {  	_ =	swait.ge [sflag:s1], $0x50  }
0xe6: {  	[sflag:s1] =	ssyncset.done $0x0  }
0xe7: {  	[sflag:s1] =	ssyncadd.s32 $0xFFFFFFB0  }
0xe8: {  	[tilespmem:s21], [sflag:$0x6] =	stream.indirect.gather [hbm4b:s5+s14], $0x80, s13, s14, $0xb8;
	[tilespmem:$0x1EE88] =	vst v63  }
0xe9: {  	_ =	swait.ge [sflag:s22], $0x2800  }
0xea: {  	[sflag:s22] =	ssyncset.done $0x0  }
0xeb: {  	s9 =	rddreg [dreg:$0x1e];
	[sflag:s22] =	ssyncadd.s32 $0xFFFFD800  }
0xec: {  	[tilespmem:s11], [sflag:$0x2] =	stream.linear.gather [hbm4b:s9+s4], $0x50, $0x38;
	[tilespmem:$0x1EE88] =	vst v63  }
0xed: {  	s15 =	sadd.s32 $0x14D48, s17  }
0xee: {  	[spmem:s2] =	stream.indirect.scatter.add.f32 [tilespmem:s19], [sflag:$0x8], $0x80, s15, s14, $0xb8;
	[tilespmem:$0x1EE88] =	vst v63  }
0xef: {  	_ = 	snop  }
0xf0: {  	[spmem:s3] =	stream.indirect.scatter.add.bf16 [tilespmem:s0], [sflag:$0xA], $0x8, s15, s14, $0xb8;
	[tilespmem:$0x1EE88] =	vst v63  }
0xf1: {  	_ =	swait.ge [sflag:s24], $0x2800  }
0xf2: {  	[sflag:s24] =	ssyncset.done $0x0  }
0xf3: {  	[sflag:s24] =	ssyncadd.s32 $0xFFFFD800  }
0xf4: {  	_ =	swait.ge [sflag:s25], $0x50  }
0xf5: {  	[sflag:s25] =	ssyncset.done $0x0  }
0xf6: {  	[sflag:s25] =	ssyncadd.s32 $0xFFFFFFB0  }
0xf7: {  	[tilespmem:s18], [sflag:$0x4] =	stream.indirect.gather [hbm4b:s5+s14], $0x80, s10, s14, $0xb8;
	[tilespmem:$0x1EE88] =	vst v63  }
0xf8: {  	_ =	swait.ge [sflag:s26], $0x2800  }
0xf9: {  	[sflag:s26] =	ssyncset.done $0x0  }
0xfa: {  	s6 =	sadd.s32 $0x14D98, s17;
	[sflag:s26] =	ssyncadd.s32 $0xFFFFD800  }
0xfb: {  	[spmem:s2] =	stream.indirect.scatter.add.f32 [tilespmem:s21], [sflag:$0x9], $0x80, s6, s14, $0xb8;
	[tilespmem:$0x1EE88] =	vst v63  }
0xfc: {  	_ = 	snop  }
0xfd: {  	[spmem:s3] =	stream.indirect.scatter.add.bf16 [tilespmem:s0], [sflag:$0xA], $0x8, s6, s14, $0xb8;
	[tilespmem:$0x1EE88] =	vst v63  }
0xfe: {  	_ =	swait.ge [sflag:s29], $0x2800  }
0xff: {  	[sflag:s29] =	ssyncset.done $0x0  }
0x100: {  	[sflag:s29] =	ssyncadd.s32 $0xFFFFD800  }
0x101: {  	_ =	swait.ge [sflag:s30], $0x50  }
0x102: {  	[sflag:s30] =	ssyncset.done $0x0  }
0x103: {  	[sflag:s30] =	ssyncadd.s32 $0xFFFFFFB0  }
0x104: {  	[tilespmem:s19], [sflag:$0x5] =	stream.indirect.gather [hbm4b:s5+s14], $0x80, s11, s14, $0xb8;
	[tilespmem:$0x1EE88] =	vst v63  }
0x105: {  	_ =	swait.ge [sflag:s20], $0x2800  }
0x106: {  	[sflag:s20] =	ssyncset.done $0x0  }
0x107: {  	s16 =	simm.s32 $0x17278;
	[sflag:s20] =	ssyncadd.s32 $0xFFFFD800  }
0x108: {  	[spmem:s2] =	stream.indirect.scatter.add.f32 [tilespmem:s18], [sflag:$0x7], $0x80, s16, s14, $0xb8;
	[tilespmem:$0x1EE88] =	vst v63  }
0x109: {  	_ = 	snop  }
0x10a: {  	[spmem:s3] =	stream.indirect.scatter.add.bf16 [tilespmem:s0], [sflag:$0xA], $0x8, s16, s14, $0xb8;
	[tilespmem:$0x1EE88] =	vst v63  }
0x10b: {  	_ =	swait.ge [sflag:s31], $0x2800  }
0x10c: {  	[sflag:s31] =	ssyncset.done $0x0  }
0x10d: {  	[sflag:s31] =	ssyncadd.s32 $0xFFFFD800  }
0x10e: {  	_ =	swait.ge [sflag:s22], $0x2800  }
0x10f: {  	[sflag:s22] =	ssyncset.done $0x0  }
0x110: {  	s17 =	simm.s32 $0x172C8;
	[sflag:s22] =	ssyncadd.s32 $0xFFFFD800  }
0x111: {  	[spmem:s2] =	stream.indirect.scatter.add.f32 [tilespmem:s19], [sflag:$0x8], $0x80, s17, s14, $0xb8;
	[tilespmem:$0x1EE88] =	vst v63  }
0x112: {  	_ = 	snop  }
0x113: {  	[spmem:s3] =	stream.indirect.scatter.add.bf16 [tilespmem:s0], [sflag:$0xA], $0x8, s17, s14, $0xb8;
	[tilespmem:$0x1EE88] =	vst v63  }
0x114: {  	_ =	swait.ge [sflag:s24], $0x2800  }
0x115: {  	[sflag:s24] =	ssyncset.done $0x0  }
0x116: {  	[sflag:s24] =	ssyncadd.s32 $0xFFFFD800  }
0x117: {  	_ =	swait.ge [sflag:s29], $0x2800  }
0x118: {  	[sflag:s29] =	ssyncset.done $0x0  }
0x119: {  	[sflag:s29] =	ssyncadd.s32 $0xFFFFD800  }
0x11a: {  	_ =	swait.ge [sflag:s23], $0x280  }
0x11b: {  	s7 =	simm.s32 $0x7C;
	[sflag:s23] =	ssyncset.done $0x0  }
.LBB2_4:
0x11c: {  	p1 =	sne.s32 s7, $0x1;
	s7 =	sadd.s32 $0xFFFFFFFF, s7;
	[sflag:s23] =	ssyncadd.s32 $0xFFFFFD80  }
.Ltmp1:
0x11d: {  	(pc) =	sbr.rel @p1 .LBB2_4-.Ltmp1, $3  }
0x11e: {  	_ =	sdelay $0x1  }
0x11f: {  	_ =	swait.ge [sflag:s23], $0x280  }
0x120: {  	[sflag:s23] =	ssyncset.done $0x0  }
0x121: {  	[sflag:s23] =	ssyncadd.s32 $0xFFFFFD80  }
0x122: {  	[bflag:$0x0] =	sbarrier.arrive $0xFFFF  }
0x123: {  	s7 =	rddreg [dreg:$0x12]  }
0x124: {  	s6 =	simm.s32 @p0 $0x1FCB;
	s9 =	rddreg [dreg:$0x1f]  }
0x125: {  	[hbm:s7], [sflag:s6] =	dma.local @p0 [spmem:s9], $0x2800  }
0x126: {  	s7 =	simm.s32 @p0 $0xB  }
0x127: {  	_ =	swait.ge @p0 [sflag:s7], $0x2800  }
0x128: {  	s15 =	sld [smem:$0x7FD]  }
0x129: {  	[sflag:s7] =	ssyncset.done @p0 $0x0  }
0x12a: {  	s9 =	rddreg [dreg:$0x13];
	[sflag:s7] =	ssyncadd.s32 @p0 $0xFFFFD800  }
0x12b: {  	[hbm:s9], [sflag:s6] =	dma.local @p0 [spmem:s15], $0x280  }
0x12c: {  	_ =	swait.ge @p0 [sflag:s7], $0x280  }
0x12d: {  	[sflag:s7] =	ssyncset.done @p0 $0x0;
	s6 =	rddreg [dreg:$0xc]  }
0x12e: {  	[sflag:s7] =	ssyncadd.s32 @p0 $0xFFFFFD80;
	s7 =	rddreg [dreg:$0x17]  }
0x12f: {  	[hbm:s6], [sflag:s12] =	dma.local @!p0 [spmem:s7], $0x2700  }
0x130: {  	s6 =	simm.s32 @!p0 $0xB  }
0x131: {  	_ =	swait.ge @!p0 [sflag:s6], $0x2700  }
0x132: {  	[sflag:s6] =	ssyncset.done @!p0 $0x0;
	s7 =	rddreg [dreg:$0xd]  }
0x133: {  	s9 =	rddreg [dreg:$0x18];
	[sflag:s6] =	ssyncadd.s32 @!p0 $0xFFFFD900  }
0x134: {  	[hbm:s7], [sflag:s12] =	dma.local @!p0 [spmem:s9], $0x270  }
0x135: {  	_ =	swait.ge @!p0 [sflag:s6], $0x270  }
0x136: {  	s28 =	sadd.s32 $0x1, s28;
	s17 =	rddreg [dreg:$0x14]  }
0x137: {  	p1 =	sne.s32 s28, s17  }
.Ltmp2:
0x138: {  	_ = 	snop;
	(pc) =	sbr.rel @p1 .LBB2_1-.Ltmp2, $3  }
0x139: {  	_ =	sdelay $0x1  }
0x13a: {  	[sflag:s6] =	ssyncset.done @!p0 $0x0  }
0x13b: {  	[sflag:s6] =	ssyncadd.s32 @!p0 $0xFFFFFD90  }
0x13c: {  	_ =	sfence.sel $0x180000  }
0x13d: {  	[bflag:$0x0] =	sbarrier.arrive $0xFFFF  }
0x13e: {  	_ =	strace $0x90000047  }
0x13f: {  	s0 =	stileid.u32;
	[bflag:$0x2] =	sbarrier.arrive $0xFFFF  }
0x140: {  	p0 =	sne.s32 s0, $0x0;
	s0 =	rddreg [dreg:$0x4]  }
0x141: {  	s0 =	sadd.s32 @!p0 $0x100000, s0  }
0x142: {  	[sflag:s0] =	ssyncadd.tile.s32 @!p0 $0x1;
	_ =	shalt  }
.Lfunc_end2:
_tile_overlayer_lowered:
.L_overlay_start_2:
0x143: {  	(tag) =	ssettag $0x2  }
0x144: {  	s0 =	rddreg [dreg:$0x0];
	s2 =	stileid.u32  }
0x145: {  	s1 =	rddreg [dreg:$0x1];
	p0 =	sne.s32 s2, $0x0  }
0x146: {  	s3 =	rddreg [dreg:$0x2];
	[bflag:$0x3] =	sbarrier.arrive $0xFFFF;
	s2 =	simm.s32 @!p0 $0x1C0B  }
0x147: {  	[timem:s3], [sflag:s2] =	dma.local @!p0 [hbm:s0], s1  }
0x148: {  	s0 =	simm.s32 @!p0 $0xB  }
0x149: {  	_ =	swait.ge @!p0 [sflag:s0], s1  }
0x14a: {  	s1 =	ssub.s32 @!p0 $0x0, s1;
	[sflag:s0] =	ssyncset.done @!p0 $0x0  }
0x14b: {  	[sflag:s0] =	ssyncadd.s32 @!p0 s1  }
0x14c: {  	[bflag:$0x3] =	sbarrier.arrive $0xFFFF  }
0x14d: {  	_ =	shalt  }

// kernel: sc_agg2.3.cloned.1.call-start
scs
__scs_entry_jumppad:
0x0: {  	(pc) =	sbr.rel $0x88, $3  }
0x1: {  	(tag) =	ssettag $0x0;
	lr =	simm.s32 $0x1  }
0x2: {  	[smem:$0x3F99] =	sst lr;
	_ =	strace $0xD0000000  }
0x3: {  	_ = 	snop  }
0x4: {  	_ = 	snop  }
0x5: {  	_ = 	snop  }
0x6: {  	_ = 	snop  }
0x7: {  	_ = 	snop  }
__scs_overlays_trampoline_lowered:
0x8: {  	[smem:$0x3FA8] =	sst s0  }
0x9: {  	[smem:$0x3FA9] =	sst s1  }
0xa: {  	[smem:$0x3FAA] =	sst s2  }
0xb: {  	[smem:$0x3FAB] =	sst s3  }
0xc: {  	[smem:$0x3FAC] =	sst s4  }
0xd: {  	[smem:$0x3FAD] =	sst s5  }
0xe: {  	[smem:$0x3FAE] =	sst s6  }
0xf: {  	[smem:$0x3FAF] =	sst s7  }
0x10: {  	[smem:$0x3FB0] =	sst s8  }
0x11: {  	[smem:$0x3FB1] =	sst s9;
	s0 =	simm.s32 @!p0 $0x0  }
0x12: {  	s1 =	sld [smem:$0x3F97];
	s0 =	simm.s32 @p0 $0x1  }
0x13: {  	[smem:$0x3FB2] =	sst s0;
	s0 =	simm.s32 @!p1 $0x0  }
0x14: {  	s2 =	sld [smem:$0x3F96];
	s0 =	simm.s32 @p1 $0x1  }
0x15: {  	[smem:$0x3FB3] =	sst s0;
	s0 =	simm.s32 @!p2 $0x0  }
0x16: {  	s3 =	sld [smem:$0x3FDB];
	s0 =	simm.s32 @p2 $0x1  }
0x17: {  	s4 =	simm.s32 $0x1BF5;
	[smem:$0x3FB5] =	sst s0  }
0x18: {  	s0 =	sld [smem:$0x3F98];
	_ =	swait.ge [sflag:s4], $0x0  }
0x19: {  	s7 =	sld [smem:$0x3F99]  }
0x1a: {  	s8 =	sadd.s32 $0xFFFFE003, lr  }
0x1b: {  	s9 =	sadd.s32 $0xFFFFFEF7, lr;
	s5 =	simm.s32 $0xFFFFFFFF;
	p2 =	slt.u32 s8, $0xFFFFF086  }
0x1c: {  	p1 =	slt.u32 s9, $0xF7A;
	s5 =	simm.s32 @!p2 $0x0  }
0x1d: {  	s5 =	simm.s32 @p1 $0x1;
	p0 =	seq.s32 s7, s2  }
0x1e: {  	s7 =	smul.u32 @!p0 $0xF7A, s2;
	p2 =	seq.s32 @!p0 s5, $0x0  }
0x1f: {  	s9 =	smul.u32 $0xF7A, s1;
	s8 =	simm.s32 @!p0 $0x1BF5;
	p2 =	por !p2, p0  }
0x20: {  	[sflag:s8] =	ssyncset.s32 @!p0 $0xFFFFF086;
	s6 =	sadd.s32 @!p0 s3, s7;
	s7 =	simm.s32 @!p0 $0x108  }
0x21: {  	s3 =	sadd.s32 s3, s9;
	s6 =	sadd.s32 @!p0 $0x88, s6;
	s7 =	simm.s32 @p2 $0x1082  }
0x22: {  	[simem:s7], [sflag:s8] =	dma.local @!p0 [hbm:s6], $0xF7A  }
0x23: {  	s9 =	sor.u32 $0xD0000000, s2;
	s6 =	simm.s32 $0x108;
	_ =	swait.ge @!p0 [sflag:s8], $0x0  }
0x24: {  	s3 =	sadd.s32 $0x88, s3;
	s6 =	simm.s32 @!p1 $0x1082;
	[sflag:s4] =	ssyncset.s32 $0xFFFFF086  }
0x25: {  	[simem:s6], [sflag:s4] =	dma.local [hbm:s3], $0xF7A  }
0x26: {  	[smem:$0x3F99] =	sst s1;
	(tag) =	ssettag s2;
	_ =	strace s9  }
0x27: {  	s1 =	sld [smem:$0x3FA9]  }
0x28: {  	s2 =	sld [smem:$0x3FAA]  }
0x29: {  	s4 =	sld [smem:$0x3FAC]  }
0x2a: {  	p0 =	seq.s32 s5, $0x0;
	s5 =	sld [smem:$0x3FAD]  }
0x2b: {  	s6 =	sld [smem:$0x3FAE]  }
0x2c: {  	s7 =	sld [smem:$0x3FAF]  }
0x2d: {  	s3 =	simm.s32 $0x108;
	s8 =	sld [smem:$0x3FB0]  }
0x2e: {  	s3 =	simm.s32 @!p0 $0x1082;
	s9 =	sld [smem:$0x3FB1]  }
0x2f: {  	lr =	sadd.s32 s0, s3;
	s0 =	sld [smem:$0x3FA8]  }
0x30: {  	s3 =	sld [smem:$0x3FAB]  }
0x31: {  	[smem:$0x3FB4] =	sst s10  }
0x32: {  	s10 =	sld [smem:$0x3FB2];
	_ =	sdelay $0x3  }
0x33: {  	p0 =	seq.s32 s10, $0x1;
	s10 =	sld [smem:$0x3FB4];
	_ =	sdelay $0x3  }
0x34: {  	[smem:$0x3FB4] =	sst s10  }
0x35: {  	s10 =	sld [smem:$0x3FB3];
	_ =	sdelay $0x3  }
0x36: {  	p1 =	seq.s32 s10, $0x1;
	s10 =	sld [smem:$0x3FB4];
	_ =	sdelay $0x3  }
0x37: {  	[smem:$0x3FB4] =	sst s10  }
0x38: {  	s10 =	sld [smem:$0x3FB5]  }
0x39: {  	_ = 	snop;
	(pc) =	sbr.ind lr, $3  }
0x3a: {  	_ = 	snop  }
0x3b: {  	_ = 	snop  }
0x3c: {  	p2 =	seq.s32 s10, $0x1;
	s10 =	sld [smem:$0x3FB4]  }
0x3d: {  	_ =	shalt  }
0x3e: {  	_ =	shalt  }
0x3f: {  	_ =	shalt  }
0x40: {  	_ =	shalt  }
0x41: {  	_ =	shalt  }
0x42: {  	_ =	shalt  }
0x43: {  	_ =	shalt  }
0x44: {  	_ =	shalt  }
0x45: {  	_ =	shalt  }
0x46: {  	_ =	shalt  }
0x47: {  	_ =	shalt  }
0x48: {  	_ =	shalt  }
0x49: {  	_ =	shalt  }
0x4a: {  	_ =	shalt  }
0x4b: {  	_ =	shalt  }
0x4c: {  	_ =	shalt  }
0x4d: {  	_ =	shalt  }
0x4e: {  	_ =	shalt  }
0x4f: {  	_ =	shalt  }
0x50: {  	_ =	shalt  }
0x51: {  	_ =	shalt  }
0x52: {  	_ =	shalt  }
0x53: {  	_ =	shalt  }
0x54: {  	_ =	shalt  }
0x55: {  	_ =	shalt  }
0x56: {  	_ =	shalt  }
0x57: {  	_ =	shalt  }
0x58: {  	_ =	shalt  }
0x59: {  	_ =	shalt  }
0x5a: {  	_ =	shalt  }
0x5b: {  	_ =	shalt  }
0x5c: {  	_ =	shalt  }
0x5d: {  	_ =	shalt  }
0x5e: {  	_ =	shalt  }
0x5f: {  	_ =	shalt  }
0x60: {  	_ =	shalt  }
0x61: {  	_ =	shalt  }
0x62: {  	_ =	shalt  }
0x63: {  	_ =	shalt  }
0x64: {  	_ =	shalt  }
0x65: {  	_ =	shalt  }
0x66: {  	_ =	shalt  }
0x67: {  	_ =	shalt  }
0x68: {  	_ =	shalt  }
0x69: {  	_ =	shalt  }
0x6a: {  	_ =	shalt  }
0x6b: {  	_ =	shalt  }
0x6c: {  	_ =	shalt  }
0x6d: {  	_ =	shalt  }
0x6e: {  	_ =	shalt  }
0x6f: {  	_ =	shalt  }
0x70: {  	_ =	shalt  }
0x71: {  	_ =	shalt  }
0x72: {  	_ =	shalt  }
0x73: {  	_ =	shalt  }
0x74: {  	_ =	shalt  }
0x75: {  	_ =	shalt  }
0x76: {  	_ =	shalt  }
0x77: {  	_ =	shalt  }
0x78: {  	_ =	shalt  }
0x79: {  	_ =	shalt  }
0x7a: {  	_ =	shalt  }
0x7b: {  	_ =	shalt  }
0x7c: {  	_ =	shalt  }
0x7d: {  	_ =	shalt  }
0x7e: {  	_ =	shalt  }
0x7f: {  	_ =	shalt  }
0x80: {  	_ =	shalt  }
0x81: {  	_ =	shalt  }
0x82: {  	_ =	shalt  }
0x83: {  	_ =	shalt  }
0x84: {  	_ =	shalt  }
0x85: {  	_ =	shalt  }
0x86: {  	_ =	shalt  }
0x87: {  	_ =	shalt  }
.Lfunc_end0:
.L_simem_size_0:
called_computation.1_lowered:
.L_overlay_start_0:
0x88: {  	s2 =	sld [smem:$0x3FD9]  }
0x89: {  	s3 =	sld [smem:$0x3FFE];
	_ =	sdelay $0x1  }
0x8a: {  	s1 =	srdreg.scid  }
0x8b: {  	s0 =	sand.u32 $0x1, s1  }
0x8c: {  	s17 =	sshll.u32 s0, $0xA;
	s2 =	sadd.s32 s3, s2  }
0x8d: {  	s2 =	sadd.s32 s2, s17  }
0x8e: {  	[smem:$0x3FC0] =	sst s2  }
0x8f: {  	_ = 	snop  }
0x90: {  	s2 =	sld [smem:$0x3FD0];
	(tm) =	ssettm $0x1  }
0x91: {  	s18 =	sld [smem:$0x3FFB];
	_ =	sdelay $0x3  }
0x92: {  	_ =	strace s18  }
0x93: {  	s3 =	sld [smem:$0x3FFC];
	_ =	sdelay $0x3  }
0x94: {  	_ =	strace s3  }
0x95: {  	s3 =	sld [smem:$0x3FFD];
	_ =	sdelay $0x3  }
0x96: {  	_ =	strace s3  }
0x97: {  	_ =	strace $0x8FFFFFFF  }
0x98: {  	s19 =	sld [smem:$0x3FDB];
	_ =	sdelay $0x1  }
0x99: {  	s4 =	simm.s32 $_scs_section_size  }
0x9a: {  	s5 =	simm.s32 $_size__tile_overlayer_lowered;
	s6 =	simm.s32 $_tile_overlayer_lowered  }
0x9b: {  	s22 =	simm.s32 $0x1BFF;
	s21 =	sshll.u32 s6, $0x1;
	s3 =	sadd.s32 s4, s19  }
0x9c: {  	s7 =	simm.s32 $0x0;
	s20 =	sshll.u32 s5, $0x1;
	s5 =	sadd.s32 s21, s3  }
0x9d: {  	[timem:s7], [sflag:s22] =	dma.local [hbm:s5], s20  }
0x9e: {  	_ =	swait.ge [sflag:s22], s20  }
0x9f: {  	s4 =	ssub.s32 $0x0, s20;
	[sflag:s22] =	ssyncset.done $0x0  }
0xa0: {  	[sflag:s22] =	ssyncadd.s32 s4;
	_ =	sdelay $0x1  }
0xa1: {  	s23 =	simm.s32 $0x1B8B  }
0xa2: {  	_ =	swait.ge [sflag:s23], $0x1  }
0xa3: {  	[sflag:s23] =	ssyncset.done $0x0  }
0xa4: {  	s25 =	simm.s32 $0x1B8E;
	s24 =	sld [smem:$0x3FFE];
	[sflag:s23] =	ssyncadd.s32 $0xFFFFFFFF  }
0xa5: {  	s26 =	simm.s32 $execute0_lowered;
	[smem:$0x3FD2] =	sst s25  }
0xa6: {  	s5 =	sshll.u32 s26, $0x1;
	_ =	strace $0x80000049;
	[dreg:$0x1] =	wrdreg $0xFFFFFFFF  }
0xa7: {  	s28 =	simm.s32 $_size_execute0_lowered;
	s3 =	sadd.s32 s3, s5;
	[dreg:$0x0] =	wrdreg $0x0  }
0xa8: {  	s5 =	sshll.u32 s28, $0x1;
	[dreg:$0x2] =	wrdreg s3  }
0xa9: {  	[dreg:$0x3] =	wrdreg s5  }
0xaa: {  	[dreg:$0x4] =	wrdreg $0xC0  }
0xab: {  	_ =	task [dreg:s7], $0x5FFFF  }
0xac: {  	[dreg:$0x1] =	wrdreg $0xFFFFFFFF  }
0xad: {  	[dreg:$0x0] =	wrdreg $0x60  }
0xae: {  	[dreg:$0x2] =	wrdreg s2  }
0xaf: {  	[dreg:$0x3] =	wrdreg s24  }
0xb0: {  	[dreg:$0x4] =	wrdreg $0x0  }
0xb1: {  	[dreg:$0x5] =	wrdreg $0x9  }
0xb2: {  	_ =	task.clear_ibuf [dreg:s7], $0x6FFFF;
	_ =	strace $0x90000049  }
0xb3: {  	s29 =	simm.s32 $0x9;
	_ =	strace $0x8000004B  }
0xb4: {  	_ =	swait.ge [sflag:s29], $0x1  }
0xb5: {  	[sflag:s29] =	ssyncadd.s32 $0xFFFFFFFF  }
0xb6: {  	_ =	strace $0x9000004B  }
0xb7: {  	_ =	sfence  }
0xb8: {  	s30 =	sld [smem:$0x0];
	_ =	sdelay $0x2  }
0xb9: {  	s31 =	sshll.u32 s1, $0xD;
	s1 =	sshrl.u32 s1, $0x2  }
0xba: {  	s3 =	sand.u32 $0x4000, s31;
	s1 =	sadd.s32 s1, s30  }
0xbb: {  	s0 =	sor.u32 s3, s0;
	s1 =	sshll.u32 s1, $0x11  }
0xbc: {  	s0 =	sor.u32 s1, s0  }
0xbd: {  	s0 =	sadd.s32 $0x8F2B, s0  }
0xbe: {  	[sflag:s0] =	ssyncadd.remote.s32 $0x1  }
0xbf: {  	_ =	sfence.sel $0xFFFF  }
0xc0: {  	[dreg:$0x0] =	wrdreg $0xFFFFFFFF;
	(pc) =	sbr.abs _section_cstart, $3  }
0xc1: {  	[dreg:$0x1] =	wrdreg $0xFFFFFFFF  }
0xc2: {  	_ =	task.clear_ibuf [dreg:s7], $0x2FFFF;
	_ =	strace $0x9FFFFFFF  }
0xc3: {  	(tm) =	ssettm $0x7FFFFFFF  }
tec
execute0_lowered:
.L_overlay_start_1:
0x0: {  	(tag) =	ssettag $0x1  }
0x1: {  	s0 =	srdreg.scid;
	s1 =	rddreg [dreg:$0x0]  }
0x2: {  	s2 =	rddreg [dreg:$0x1];
	s10 =	stileid.u32  }
0x3: {  	s3 =	rddreg [dreg:$0x2];
	s5 =	simm.s32 $0x0;
	s15 =	simm.s32 $0xB  }
0x4: {  	s17 =	simm.s32 $0x50;
	s18 =	simm.s32 $0x7530;
	s20 =	simm.s32 $0x7A30  }
0x5: {  	s22 =	simm.s32 $0x7F30;
	s29 =	simm.s32 $0x8930;
	s30 =	simm.s32 $0x2  }
0x6: {  	s19 =	simm.s32 $0x3;
	s23 =	simm.s32 $0x7;
	s31 =	simm.s32 $0x4  }
0x7: {  	s21 =	simm.s32 $0x8;
	s28 =	simm.s32 $0x9;
	s0 =	sand.u32 $0x1, s0  }
0x8: {  	[smem:$0x7FF] =	sst s5;
	s6 =	smul.u32 $0x9C00, s10;
	s5 =	sadd.s32 $0x15A00, s2  }
0x9: {  	s8 =	smul.u32 $0x2700, s10;
	s11 =	sadd.s32 $0x24900, s3;
	p0 =	seq.s32 s10, $0xF  }
0xa: {  	s4 =	sshll.u32 s0, $0x4;
	_ =	strace $0x8000004A;
	s7 =	smul.u32 $0x27100, s0  }
0xb: {  	s0 =	ssub.s32 $0x2, s0;
	s11 =	sshrl.u32 @p0 s11, $0x3;
	s4 =	sor.u32 s10, s4  }
0xc: {  	s9 =	sshrl.u32 s0, $0x1;
	s6 =	sshrl.u32 s6, $0x2;
	s4 =	smul.u32 $0x4E2, s4  }
0xd: {  	s0 =	ssub.s32 s0, s9;
	s6 =	sadd.s32 s6, s3;
	s24 =	sadd.s32 s8, s7  }
0xe: {  	s26 =	sshrl.u32 s7, $0x3;
	s7 =	sadd.s32 s8, s3;
	s9 =	sshrl.u32 s24, $0x3  }
0xf: {  	s0 =	smax.u32 s0, $0x1;
	s13 =	sshrl.u32 @!p0 s6, $0x3;
	s24 =	simm.s32 $0x8430  }
0x10: {  	s6 =	simm.s32 $0x0;
	s4 =	sadd.s32 s4, s2;
	s2 =	sadd.s32 $0x16000, s2  }
0x11: {  	[dreg:$0x8] =	wrdreg s0;
	s0 =	sshll.u32 @!p0 s10, $0x6;
	s12 =	sadd.s32 $0xBC00, s4  }
.Ltmp0:
0x12: {  	s4 =	sadd.s32 $0x1E00, s4;
	[dreg:$0x4] =	wrdreg s12;
	(pc) =	sbr.rel .LBB2_1-.Ltmp0, $4  }
0x13: {  	s25 =	sadd.s32 s2, s9;
	s2 =	sadd.s32 s2, s26;
	[dreg:$0x5] =	wrdreg s4  }
0x14: {  	s26 =	simm.s32 $0x1;
	[dreg:$0x6] =	wrdreg s25;
	s2 =	sadd.s32 $0x4920, s2  }
0x15: {  	s12 =	sor.u32 @!p0 $0x1C0B, s0;
	s25 =	sshrl.u32 @!p0 s7, $0x3;
	s0 =	simm.s32 $0x5  }
0x16: {  	s4 =	simm.s32 $0xA;
	[dreg:$0x7] =	wrdreg s2;
	s2 =	simm.s32 $0x6  }
.LBB2_4:
0x17: {  	_ =	swait.ge [sflag:s0], $0x500  }
0x18: {  	[sflag:s0] =	ssyncset.done $0x0  }
0x19: {  	[sflag:s0] =	ssyncadd.s32 $0xFFFFFB00  }
0x1a: {  	[spmem:s3] =	stream.indirect.scatter.add.f32 [tilespmem:s29], [sflag:$0xA], $0x10, s9, s17, $0xb8;
	[tilespmem:$0x8E30] =	vst v63  }
0x1b: {  	_ =	swait.ge [sflag:s28], $0x500  }
0x1c: {  	[sflag:s28] =	ssyncset.done $0x0  }
0x1d: {  	[sflag:s28] =	ssyncadd.s32 $0xFFFFFB00  }
0x1e: {  	_ =	swait.ge [sflag:s4], $0x500  }
0x1f: {  	[sflag:s4] =	ssyncset.done $0x0  }
0x20: {  	[sflag:s4] =	ssyncadd.s32 $0xFFFFFB00  }
0x21: {  	[bflag:$0x0] =	sbarrier.arrive $0xFFFF  }
0x22: {  	s7 =	simm.s32 @p0 $0x1FCB;
	s8 =	rddreg [dreg:$0x7]  }
0x23: {  	[hbm:s8], [sflag:s7] =	dma.local @p0 [spmem:s11], $0x500  }
0x24: {  	s7 =	simm.s32 @p0 $0xB  }
0x25: {  	_ =	swait.ge @p0 [sflag:s7], $0x500  }
0x26: {  	[sflag:s7] =	ssyncset.done @p0 $0x0  }
0x27: {  	[sflag:s7] =	ssyncadd.s32 @p0 $0xFFFFFB00;
	s7 =	rddreg [dreg:$0x6]  }
0x28: {  	[hbm:s7], [sflag:s12] =	dma.local @!p0 [spmem:s25], $0x4E0  }
0x29: {  	s7 =	simm.s32 @!p0 $0xB  }
0x2a: {  	_ =	swait.ge @!p0 [sflag:s7], $0x4E0  }
0x2b: {  	s6 =	sadd.s32 $0x1, s6;
	s16 =	rddreg [dreg:$0x8]  }
0x2c: {  	p1 =	sne.s32 s6, s16  }
.Ltmp1:
0x2d: {  	_ = 	snop;
	(pc) =	sbr.rel @!p1 .LBB2_5-.Ltmp1, $3  }
0x2e: {  	_ =	sdelay $0x1  }
0x2f: {  	[sflag:s7] =	ssyncset.done @!p0 $0x0  }
0x30: {  	[sflag:s7] =	ssyncadd.s32 @!p0 $0xFFFFFB20  }
.LBB2_1:
0x31: {  	s7 =	simm.s32 @p0 $0x1FCB  }
0x32: {  	[spmem:s11], [sflag:s7] =	dma.local @p0 [hbm:s5], $0x500  }
0x33: {  	s7 =	simm.s32 @p0 $0xB  }
0x34: {  	_ =	swait.ge @p0 [sflag:s7], $0x500  }
0x35: {  	[sflag:s7] =	ssyncset.done @p0 $0x0  }
0x36: {  	[sflag:s7] =	ssyncadd.s32 @p0 $0xFFFFFB00;
	s7 =	simm.s32 @!p0 $0xB  }
0x37: {  	[spmem:s13], [sflag:s12] =	dma.local @!p0 [hbm:s5], $0x4E0  }
0x38: {  	_ =	swait.ge @!p0 [sflag:s7], $0x4E0  }
0x39: {  	s14 =	simm.s32 $0x0;
	[sflag:s7] =	ssyncset.done @!p0 $0x0  }
0x3a: {  	s9 =	simm.s32 $0x2710;
	s8 =	rddreg [dreg:$0x4];
	[sflag:s7] =	ssyncadd.s32 @!p0 $0xFFFFFB20  }
0x3b: {  	[tilespmem:s9], [sflag:$0xB] =	stream.linear.gather [hbm4b:s8+s14], $0x2710, $0x38;
	[tilespmem:$0x8E30] =	vst v63  }
0x3c: {  	_ =	swait.ge [sflag:s15], $0x2710  }
0x3d: {  	[sflag:s15] =	ssyncset.done $0x0  }
0x3e: {  	s10 =	simm.s32 $0x4E20;
	s16 =	rddreg [dreg:$0x5];
	[sflag:s15] =	ssyncadd.s32 $0xFFFFD8F0  }
0x3f: {  	[tilespmem:s10], [sflag:$0xB] =	stream.linear.gather [hbm4b:s16+s14], $0x2710, $0x38;
	[tilespmem:$0x8E30] =	vst v63  }
0x40: {  	_ =	swait.ge [sflag:s15], $0x2710  }
0x41: {  	[sflag:s15] =	ssyncset.done $0x0  }
0x42: {  	[sflag:s15] =	ssyncadd.s32 $0xFFFFD8F0  }
0x43: {  	[bflag:$0x0] =	sbarrier.arrive $0xFFFF  }
0x44: {  	[tilespmem:s18], [sflag:$0x1] =	stream.indirect.gather [hbm4b:s1+s17], $0x10, s9, s17, $0xb8;
	[tilespmem:$0x8E30] =	vst v63  }
0x45: {  	s14 =	simm.s32 $0x2760  }
0x46: {  	[tilespmem:s20], [sflag:$0x2] =	stream.indirect.gather [hbm4b:s1+s17], $0x10, s14, s17, $0xb8;
	[tilespmem:$0x8E30] =	vst v63  }
0x47: {  	s16 =	simm.s32 $0x27B0  }
0x48: {  	[tilespmem:s22], [sflag:$0x3] =	stream.indirect.gather [hbm4b:s1+s17], $0x10, s16, s17, $0xb8;
	[tilespmem:$0x8E30] =	vst v63  }
0x49: {  	s8 =	simm.s32 $0x2800  }
0x4a: {  	[tilespmem:s24], [sflag:$0x4] =	stream.indirect.gather [hbm4b:s1+s17], $0x10, s8, s17, $0xb8;
	[tilespmem:$0x8E30] =	vst v63  }
0x4b: {  	_ =	swait.ge [sflag:s26], $0x500  }
0x4c: {  	[sflag:s26] =	ssyncset.done $0x0  }
0x4d: {  	[sflag:s26] =	ssyncadd.s32 $0xFFFFFB00  }
0x4e: {  	[spmem:s3] =	stream.indirect.scatter.add.f32 [tilespmem:s18], [sflag:$0x6], $0x10, s10, s17, $0xb8;
	[tilespmem:$0x8E30] =	vst v63  }
0x4f: {  	s9 =	simm.s32 $0x2850  }
0x50: {  	[tilespmem:s29], [sflag:$0x5] =	stream.indirect.gather [hbm4b:s1+s17], $0x10, s9, s17, $0xb8;
	[tilespmem:$0x8E30] =	vst v63  }
0x51: {  	_ =	swait.ge [sflag:s30], $0x500  }
0x52: {  	[sflag:s30] =	ssyncset.done $0x0  }
0x53: {  	s10 =	simm.s32 $0x4E70;
	[sflag:s30] =	ssyncadd.s32 $0xFFFFFB00  }
0x54: {  	[spmem:s3] =	stream.indirect.scatter.add.f32 [tilespmem:s20], [sflag:$0x7], $0x10, s10, s17, $0xb8;
	[tilespmem:$0x8E30] =	vst v63  }
0x55: {  	_ =	swait.ge [sflag:s2], $0x500  }
0x56: {  	[sflag:s2] =	ssyncset.done $0x0  }
0x57: {  	s14 =	simm.s32 $0x28A0;
	[sflag:s2] =	ssyncadd.s32 $0xFFFFFB00  }
0x58: {  	[tilespmem:s18], [sflag:$0x1] =	stream.indirect.gather [hbm4b:s1+s17], $0x10, s14, s17, $0xb8;
	[tilespmem:$0x8E30] =	vst v63  }
0x59: {  	_ =	swait.ge [sflag:s19], $0x500  }
0x5a: {  	[sflag:s19] =	ssyncset.done $0x0  }
0x5b: {  	s16 =	simm.s32 $0x4EC0;
	[sflag:s19] =	ssyncadd.s32 $0xFFFFFB00  }
0x5c: {  	[spmem:s3] =	stream.indirect.scatter.add.f32 [tilespmem:s22], [sflag:$0x8], $0x10, s16, s17, $0xb8;
	[tilespmem:$0x8E30] =	vst v63  }
0x5d: {  	_ =	swait.ge [sflag:s23], $0x500  }
0x5e: {  	[sflag:s23] =	ssyncset.done $0x0  }
0x5f: {  	s8 =	simm.s32 $0x28F0;
	[sflag:s23] =	ssyncadd.s32 $0xFFFFFB00  }
0x60: {  	[tilespmem:s20], [sflag:$0x2] =	stream.indirect.gather [hbm4b:s1+s17], $0x10, s8, s17, $0xb8;
	[tilespmem:$0x8E30] =	vst v63  }
0x61: {  	_ =	swait.ge [sflag:s31], $0x500  }
0x62: {  	[sflag:s31] =	ssyncset.done $0x0  }
0x63: {  	s9 =	simm.s32 $0x4F10;
	[sflag:s31] =	ssyncadd.s32 $0xFFFFFB00  }
0x64: {  	[spmem:s3] =	stream.indirect.scatter.add.f32 [tilespmem:s24], [sflag:$0x9], $0x10, s9, s17, $0xb8;
	[tilespmem:$0x8E30] =	vst v63  }
0x65: {  	_ =	swait.ge [sflag:s21], $0x500  }
0x66: {  	[sflag:s21] =	ssyncset.done $0x0  }
0x67: {  	s10 =	simm.s32 $0x2940;
	[sflag:s21] =	ssyncadd.s32 $0xFFFFFB00  }
0x68: {  	[tilespmem:s22], [sflag:$0x3] =	stream.indirect.gather [hbm4b:s1+s17], $0x10, s10, s17, $0xb8;
	[tilespmem:$0x8E30] =	vst v63  }
0x69: {  	_ =	swait.ge [sflag:s0], $0x500  }
0x6a: {  	[sflag:s0] =	ssyncset.done $0x0  }
0x6b: {  	s14 =	simm.s32 $0x4F60;
	[sflag:s0] =	ssyncadd.s32 $0xFFFFFB00  }
0x6c: {  	[spmem:s3] =	stream.indirect.scatter.add.f32 [tilespmem:s29], [sflag:$0xA], $0x10, s14, s17, $0xb8;
	[tilespmem:$0x8E30] =	vst v63  }
0x6d: {  	_ =	swait.ge [sflag:s28], $0x500  }
0x6e: {  	[sflag:s28] =	ssyncset.done $0x0  }
0x6f: {  	s7 =	simm.s32 $0x0;
	s16 =	simm.s32 $0x2990;
	[sflag:s28] =	ssyncadd.s32 $0xFFFFFB00  }
0x70: {  	[tilespmem:s24], [sflag:$0x4] =	stream.indirect.gather [hbm4b:s1+s17], $0x10, s16, s17, $0xb8;
	[tilespmem:$0x8E30] =	vst v63  }
.LBB2_2:
0x71: {  	_ =	swait.ge [sflag:s26], $0x500  }
0x72: {  	s8 =	sshra.s32 s7, $0x2;
	[sflag:s26] =	ssyncset.done $0x0  }
0x73: {  	s9 =	sadd.s32 $0x4FB0, s8;
	[sflag:s26] =	ssyncadd.s32 $0xFFFFFB00  }
0x74: {  	[spmem:s3] =	stream.indirect.scatter.add.f32 [tilespmem:s18], [sflag:$0x6], $0x10, s9, s17, $0xb8;
	[tilespmem:$0x8E30] =	vst v63  }
0x75: {  	_ =	swait.ge [sflag:s4], $0x500  }
0x76: {  	[sflag:s4] =	ssyncset.done $0x0  }
0x77: {  	s10 =	sadd.s32 $0x29E0, s8;
	[sflag:s4] =	ssyncadd.s32 $0xFFFFFB00  }
0x78: {  	[tilespmem:s29], [sflag:$0x5] =	stream.indirect.gather [hbm4b:s1+s17], $0x10, s10, s17, $0xb8;
	[tilespmem:$0x8E30] =	vst v63  }
0x79: {  	_ =	swait.ge [sflag:s30], $0x500  }
0x7a: {  	[sflag:s30] =	ssyncset.done $0x0  }
0x7b: {  	s14 =	sadd.s32 $0x5000, s8;
	[sflag:s30] =	ssyncadd.s32 $0xFFFFFB00  }
0x7c: {  	[spmem:s3] =	stream.indirect.scatter.add.f32 [tilespmem:s20], [sflag:$0x7], $0x10, s14, s17, $0xb8;
	[tilespmem:$0x8E30] =	vst v63  }
0x7d: {  	_ =	swait.ge [sflag:s2], $0x500  }
0x7e: {  	p1 =	seq.s32 s7, $0x8FC0;
	[sflag:s2] =	ssyncset.done $0x0  }
0x7f: {  	s9 =	simm.s32 @p1 $0x3;
	[sflag:s2] =	ssyncadd.s32 $0xFFFFFB00  }
0x80: {  	_ =	swait.ge @p1 [sflag:s9], $0x500  }
0x81: {  	[sflag:s9] =	ssyncset.done @p1 $0x0  }
0x82: {  	[sflag:s9] =	ssyncadd.s32 @p1 $0xFFFFFB00;
	s9 =	sshra.s32 @p1 s7, $0x2  }
0x83: {  	s10 =	simm.s32 @p1 $0x50;
	s14 =	simm.s32 @p1 $0x7F30;
	s9 =	sadd.s32 @p1 $0x5050, s9  }
0x84: {  	[spmem:s3] =	stream.indirect.scatter.add.f32 @p1 [tilespmem:s14], [sflag:$0x8], $0x10, s9, s10, $0xb8;
	[tilespmem:$0x8E30] =	vst v63  }
0x85: {  	s9 =	simm.s32 @p1 $0x7  }
0x86: {  	_ =	swait.ge @p1 [sflag:s9], $0x500  }
0x87: {  	[sflag:s9] =	ssyncset.done @p1 $0x0  }
0x88: {  	[sflag:s9] =	ssyncadd.s32 @p1 $0xFFFFFB00;
	s9 =	sshra.s32 @!p1 s7, $0x2  }
0x89: {  	s16 =	simm.s32 @!p1 $0x7530;
	s14 =	simm.s32 @!p1 $0x50;
	s10 =	sadd.s32 @!p1 $0x2A30, s9  }
0x8a: {  	[tilespmem:s16], [sflag:$0x1] =	stream.indirect.gather @!p1 [hbm4b:s1+s14], $0x10, s10, s14, $0xb8;
	[tilespmem:$0x8E30] =	vst v63  }
0x8b: {  	s10 =	simm.s32 @!p1 $0x3  }
0x8c: {  	_ =	swait.ge @!p1 [sflag:s10], $0x500  }
0x8d: {  	[sflag:s10] =	ssyncset.done @!p1 $0x0  }
0x8e: {  	s16 =	simm.s32 @!p1 $0x7F30;
	[sflag:s10] =	ssyncadd.s32 @!p1 $0xFFFFFB00;
	s10 =	sadd.s32 @!p1 $0x5050, s9  }
0x8f: {  	[spmem:s3] =	stream.indirect.scatter.add.f32 @!p1 [tilespmem:s16], [sflag:$0x8], $0x10, s10, s14, $0xb8;
	[tilespmem:$0x8E30] =	vst v63  }
0x90: {  	s10 =	simm.s32 @!p1 $0x7  }
0x91: {  	_ =	swait.ge @!p1 [sflag:s10], $0x500  }
0x92: {  	[sflag:s10] =	ssyncset.done @!p1 $0x0  }
0x93: {  	s9 =	sadd.s32 @!p1 $0x2A80, s9;
	[sflag:s10] =	ssyncadd.s32 @!p1 $0xFFFFFB00;
	s10 =	simm.s32 @!p1 $0x7A30  }
0x94: {  	[tilespmem:s10], [sflag:$0x2] =	stream.indirect.gather @!p1 [hbm4b:s1+s14], $0x10, s9, s14, $0xb8;
	[tilespmem:$0x8E30] =	vst v63  }
0x95: {  	_ =	swait.ge [sflag:s31], $0x500  }
0x96: {  	[sflag:s31] =	ssyncset.done $0x0  }
.Ltmp2:
0x97: {  	s16 =	sadd.s32 $0x50A0, s8;
	[sflag:s31] =	ssyncadd.s32 $0xFFFFFB00;
	(pc) =	sbr.rel @p1 .LBB2_4-.Ltmp2, $4  }
0x98: {  	[spmem:s3] =	stream.indirect.scatter.add.f32 [tilespmem:s24], [sflag:$0x9], $0x10, s16, s17, $0xb8;
	[tilespmem:$0x8E30] =	vst v63  }
0x99: {  	_ =	swait.ge [sflag:s21], $0x500  }
0x9a: {  	[sflag:s21] =	ssyncset.done $0x0  }
0x9b: {  	s9 =	sadd.s32 $0x50F0, s8;
	[sflag:s21] =	ssyncadd.s32 $0xFFFFFB00  }
0x9c: {  	s10 =	sadd.s32 $0x2AD0, s8  }
0x9d: {  	[tilespmem:s22], [sflag:$0x3] =	stream.indirect.gather [hbm4b:s1+s17], $0x10, s10, s17, $0xb8;
	[tilespmem:$0x8E30] =	vst v63  }
0x9e: {  	_ =	swait.ge [sflag:s0], $0x500  }
0x9f: {  	[sflag:s0] =	ssyncset.done $0x0  }
0xa0: {  	[sflag:s0] =	ssyncadd.s32 $0xFFFFFB00  }
0xa1: {  	[spmem:s3] =	stream.indirect.scatter.add.f32 [tilespmem:s29], [sflag:$0xA], $0x10, s9, s17, $0xb8;
	[tilespmem:$0x8E30] =	vst v63  }
.Ltmp3:
0xa2: {  	_ = 	snop;
	(pc) =	sbr.rel .LBB2_2-.Ltmp3, $4  }
0xa3: {  	_ =	swait.ge [sflag:s28], $0x500  }
0xa4: {  	[sflag:s28] =	ssyncset.done $0x0  }
0xa5: {  	s16 =	sadd.s32 $0x2B20, s8;
	s7 =	sadd.s32 $0x640, s7;
	[sflag:s28] =	ssyncadd.s32 $0xFFFFFB00  }
0xa6: {  	[tilespmem:s24], [sflag:$0x4] =	stream.indirect.gather [hbm4b:s1+s17], $0x10, s16, s17, $0xb8;
	[tilespmem:$0x8E30] =	vst v63  }
.LBB2_5:
0xa7: {  	_ =	sfence.sel $0x180000  }
0xa8: {  	[bflag:$0x0] =	sbarrier.arrive $0xFFFF  }
0xa9: {  	_ =	strace $0x9000004A  }
0xaa: {  	s0 =	stileid.u32;
	[bflag:$0x2] =	sbarrier.arrive $0xFFFF  }
0xab: {  	p0 =	sne.s32 s0, $0x0;
	s0 =	rddreg [dreg:$0x3]  }
0xac: {  	s0 =	sadd.s32 @!p0 $0x100000, s0  }
0xad: {  	[sflag:s0] =	ssyncadd.tile.s32 @!p0 $0x1;
	_ =	shalt  }
.Lfunc_end2:
_tile_overlayer_lowered:
.L_overlay_start_2:
0xae: {  	(tag) =	ssettag $0x2  }
0xaf: {  	s0 =	rddreg [dreg:$0x0];
	s2 =	stileid.u32  }
0xb0: {  	s1 =	rddreg [dreg:$0x1];
	p0 =	sne.s32 s2, $0x0  }
0xb1: {  	s3 =	rddreg [dreg:$0x2];
	[bflag:$0x3] =	sbarrier.arrive $0xFFFF;
	s2 =	simm.s32 @!p0 $0x1C0B  }
0xb2: {  	[timem:s3], [sflag:s2] =	dma.local @!p0 [hbm:s0], s1  }
0xb3: {  	s0 =	simm.s32 @!p0 $0xB  }
0xb4: {  	_ =	swait.ge @!p0 [sflag:s0], s1  }
0xb5: {  	s1 =	ssub.s32 @!p0 $0x0, s1;
	[sflag:s0] =	ssyncset.done @!p0 $0x0  }
0xb6: {  	[sflag:s0] =	ssyncadd.s32 @!p0 s1  }
0xb7: {  	[bflag:$0x3] =	sbarrier.arrive $0xFFFF  }
0xb8: {  	_ =	shalt  }

</sc_bundles>
